<compile_context>
chip_gen: v7x
topology: tpu7x:2x2x1
jax: 0.10.2.dev20260603
libtpu: 0.0.44.dev20260713+nightly
codegen_flags: <defaults>
</compile_context>

<pallas_src>
import dataclasses

import jax
import jax.numpy as jnp
from jax.experimental import pallas as pl
from jax.experimental.pallas import tpu as pltpu
from jax.experimental.pallas import tpu_sc as plsc

_NUM_CLASSES = 64
_BLOCK_B = 512
_SPLIT = 0
_B = 16384
_E = 2016
_N_WORKERS = 32
_T = 16
_N_CHUNKS = _E // 16


def _tc_vote_kernel(x_ref, perms_ref, out_ref, m_ref, base_ref):
    @pl.when(pl.program_id(0) == 0)
    def _build_votes():
        c_iota = jax.lax.broadcasted_iota(
            jnp.int32, (perms_ref.shape[0], _NUM_CLASSES), 1
        )
        lmat = (perms_ref[:, 0:1] == c_iota).astype(jnp.float32)
        rmat = (perms_ref[:, 1:2] == c_iota).astype(jnp.float32)
        m_ref[...] = (rmat - lmat).astype(jnp.bfloat16)
        base_ref[...] = jnp.broadcast_to(
            jnp.sum(lmat, axis=0, keepdims=True), base_ref.shape
        )

    v = (x_ref[...] > 0.5).astype(jnp.bfloat16)
    counts = jax.lax.dot_general(
        v, m_ref[...], (((1,), (0,)), ((), ())), preferred_element_type=jnp.float32
    ) + base_ref[0:1, :]

    out_iota = jax.lax.broadcasted_iota(jnp.int32, counts.shape, 1)
    score = counts * float(_NUM_CLASSES) + (_NUM_CLASSES - 1 - out_iota).astype(
        jnp.float32
    )
    best = jnp.max(score, axis=1, keepdims=True)
    out_ref[...] = (score == best).astype(jnp.int32)


def _tc_part(x, perms, n_rows):
    return pl.pallas_call(
        _tc_vote_kernel,
        grid=(n_rows // _BLOCK_B,),
        in_specs=[
            pl.BlockSpec((_BLOCK_B, _E), lambda i: (i, 0)),
            pl.BlockSpec((_E, 2), lambda i: (0, 0)),
        ],
        out_specs=pl.BlockSpec((_BLOCK_B, _NUM_CLASSES), lambda i: (i, 0)),
        out_shape=jax.ShapeDtypeStruct((n_rows, _NUM_CLASSES), jnp.int32),
        scratch_shapes=[
            pltpu.VMEM((_E, _NUM_CLASSES), jnp.bfloat16),
            pltpu.VMEM((8, _NUM_CLASSES), jnp.float32),
        ],
    )(x, perms)


def _sc_part(x, left, right, row_offset, n_rows):
    n_tiles_per_worker = n_rows // (_N_WORKERS * _T)
    mesh = plsc.VectorSubcoreMesh(core_axis_name="c", subcore_axis_name="s")
    cp = pltpu.CompilerParams()
    if "needs_layout_passes" in pltpu.CompilerParams.__dataclass_fields__:
        cp = dataclasses.replace(cp, needs_layout_passes=False)

    @pl.kernel(
        out_type=jax.ShapeDtypeStruct((n_rows, _NUM_CLASSES), jnp.int32),
        mesh=mesh,
        compiler_params=cp,
        scratch_types=[
            pltpu.VMEM((_E,), jnp.int32),
            pltpu.VMEM((_E,), jnp.int32),
            pltpu.VMEM((_T * _NUM_CLASSES,), jnp.int32),
            pltpu.SemaphoreType.DMA,
        ],
    )
    def sc_kernel(x_hbm, l_hbm, r_hbm, o_hbm, l_vmem, r_vmem, counts, sem):
        pltpu.async_copy(l_hbm, l_vmem, sem).wait()
        pltpu.async_copy(r_hbm, r_vmem, sem).wait()

        lane = jax.lax.iota(jnp.int32, 16)
        ones = jnp.full((16,), 1, jnp.int32)
        zeros = jnp.zeros((16,), jnp.int32)

        def body(x_vmem, o_vmem):
            @pl.loop(0, _T * _NUM_CLASSES // 16)
            def _zero(k):
                counts[pl.ds(k * 16, 16)] = zeros

            @pl.loop(0, _N_CHUNKS)
            def _chunk(j):
                lj = l_vmem[pl.ds(j * 16, 16)]
                rj = r_vmem[pl.ds(j * 16, 16)]

                @pl.loop(0, _T)
                def _row(r):
                    xv = x_vmem[r, pl.ds(j * 16, 16)]
                    bins = jnp.where(xv > 0.5, rj, lj) + r * _NUM_CLASSES
                    plsc.addupdate_scatter(counts, [bins], ones)

            @pl.loop(0, _T)
            def _argmax(r):
                scores = []
                for c in range(4):
                    cnt = counts[pl.ds(r * _NUM_CLASSES + c * 16, 16)]
                    scores.append(
                        cnt * _NUM_CLASSES + (_NUM_CLASSES - 1 - c * 16) - lane
                    )
                m = jnp.maximum(
                    jnp.maximum(scores[0], scores[1]),
                    jnp.maximum(scores[2], scores[3]),
                )
                best = jnp.max(m)
                for c in range(4):
                    o_vmem[r, pl.ds(c * 16, 16)] = (scores[c] == best).astype(
                        jnp.int32
                    )

        blk_off = row_offset // _T
        pltpu.emit_pipeline(
            body,
            grid=(_N_WORKERS, n_tiles_per_worker),
            in_specs=[
                pl.BlockSpec(
                    (_T, _E), index_map=lambda i, j: (i * n_tiles_per_worker + j + blk_off, 0)
                )
            ],
            out_specs=[
                pl.BlockSpec(
                    (_T, _NUM_CLASSES),
                    index_map=lambda i, j: (i * n_tiles_per_worker + j, 0),
                )
            ],
            core_axis_name=("c", "s"),
            dimension_semantics=(pltpu.PARALLEL, pltpu.ARBITRARY),
        )(x_hbm, o_hbm)

    return sc_kernel(x, left, right)


def kernel(x, perms):
    left = perms[:, 0]
    right = perms[:, 1]
    parts = []
    if _SPLIT > 0:
        parts.append(_tc_part(x, perms, _SPLIT))
    if _SPLIT < _B:
        parts.append(_sc_part(x, left, right, _SPLIT, _B - _SPLIT))
    if len(parts) == 1:
        return parts[0]
    return jnp.concatenate(parts, axis=0)

# --- scband reference (transcript-rebuilt; emitter-appended) ---
"""Pipeline reference for scband-naive-thresholding-71339406787443 (READ-ONLY COPY).

The authoritative reference and input builder live on the scoring server;
editing this copy changes nothing except your own understanding.
"""

import jax, jax.numpy as jnp
import numpy as np
from itertools import combinations

NUM_CLASSES = 64
B = 16384


def setup_inputs(seed: int = 0) -> dict:
    key = jax.random.key(seed)
    perms_np = np.array(list(combinations(range(NUM_CLASSES), 2)), dtype=np.int32)
    E = perms_np.shape[0]  # 2016
    x = jax.random.uniform(key, (B, E), dtype=jnp.float32)
    perms = jnp.asarray(perms_np)
    return {"x": x, "perms": perms}


def reference(x, perms):
    # binarize pairwise classifier outputs
    binarized = (x > 0.5).astype(jnp.int32)
    Bn, E = x.shape
    left = perms[:, 0]
    right = perms[:, 1]
    left_exp = jnp.broadcast_to(left[None, :], (Bn, E))
    right_exp = jnp.broadcast_to(right[None, :], (Bn, E))
    # each pairwise classifier votes for one of the two classes in the pair
    selected = jnp.where(binarized == 0, left_exp, right_exp)
    # vote histogram per row: equivalent to F.one_hot(selected).sum(dim=1)
    row_idx = jnp.broadcast_to(jnp.arange(Bn, dtype=jnp.int32)[:, None], (Bn, E))
    counts = jnp.zeros((Bn, NUM_CLASSES), dtype=jnp.int32).at[row_idx, selected].add(1)
    preds = jnp.argmax(counts.astype(jnp.float32), axis=1)
    return jax.nn.one_hot(preds, NUM_CLASSES, dtype=jnp.int32)

if __name__ == "__main__":
    import jax
    _d = setup_inputs()
    print(jax.jit(kernel)(*tuple(_d.values())))

</pallas_src>

<mosaic_0001>
#map = affine_map<(d0, d1) -> (0, 0)>
#map1 = affine_map<(d0, d1) -> (0)>
module attributes {stable_mosaic.version = 14 : i64} {
  func.func @sc_kernel(%arg0: i32, %arg1: i32, %arg2: memref<16384x2016xf32, #tpu.memory_space<hbm>>, %arg3: memref<2016xi32, #tpu.memory_space<hbm>>, %arg4: memref<2016xi32, #tpu.memory_space<hbm>>, %arg5: memref<16384x64xi32, #tpu.memory_space<hbm>>, %arg6: memref<2016xi32, #tpu.memory_space<vmem>>, %arg7: memref<2016xi32, #tpu.memory_space<vmem>>, %arg8: memref<1024xi32, #tpu.memory_space<vmem>>, %arg9: memref<!tpu.dma_semaphore, #tpu.memory_space<semaphore_mem>>) attributes {dimension_semantics = [#tpu.dimension_semantics<core_parallel>, #tpu.dimension_semantics<subcore_parallel>], iteration_bounds = array<i64: 2, 16>, scalar_prefetch = 0 : i64, scratch_operands = 4 : i64, tpu.core_type = #tpu.core_type<sc_vector_subcore>, window_params = [{transform_indices = #map}, {transform_indices = #map1}, {transform_indices = #map1}, {transform_indices = #map}]} {
    tpu.enqueue_dma source(%arg3 : memref<2016xi32, #tpu.memory_space<hbm>>) target(%arg6 : memref<2016xi32, #tpu.memory_space<vmem>>) target_semaphore(%arg9 : memref<!tpu.dma_semaphore, #tpu.memory_space<semaphore_mem>>)
    tpu.wait_dma2 semaphore(%arg9 : memref<!tpu.dma_semaphore, #tpu.memory_space<semaphore_mem>>) src(%arg3 : memref<2016xi32, #tpu.memory_space<hbm>>) dst(%arg6 : memref<2016xi32, #tpu.memory_space<vmem>>)
    tpu.enqueue_dma source(%arg4 : memref<2016xi32, #tpu.memory_space<hbm>>) target(%arg7 : memref<2016xi32, #tpu.memory_space<vmem>>) target_semaphore(%arg9 : memref<!tpu.dma_semaphore, #tpu.memory_space<semaphore_mem>>)
    tpu.wait_dma2 semaphore(%arg9 : memref<!tpu.dma_semaphore, #tpu.memory_space<semaphore_mem>>) src(%arg4 : memref<2016xi32, #tpu.memory_space<hbm>>) dst(%arg7 : memref<2016xi32, #tpu.memory_space<vmem>>)
    %iota3A = tpu.iota {dimensions = array<i32: 0>} : vector<16xi32>
    %broadcast_in_dim3A = arith.constant 1 : i32
    %broadcast_in_dim3A_0 = vector.broadcast %broadcast_in_dim3A : i32 to vector<16xi32>
    %broadcast_in_dim3A_1 = arith.constant 0 : i32
    %broadcast_in_dim3A_2 = vector.broadcast %broadcast_in_dim3A_1 : i32 to vector<16xi32>
    %mul3A = arith.constant 1 : i32
    %mul3A_3 = arith.muli %arg1, %mul3A : i32
    %add3A = arith.constant 0 : i32
    %add3A_4 = arith.addi %add3A, %mul3A_3 : i32
    %mul3A_5 = arith.constant 16 : i32
    %mul3A_6 = arith.muli %arg0, %mul3A_5 : i32
    %add3A_7 = arith.addi %add3A_4, %mul3A_6 : i32
    %mul3A_8 = arith.constant 1 : i32
    %mul3A_9 = arith.muli %add3A_7, %mul3A_8 : i32
    "tpu.region"() ({
      %run_scoped3A = memref.alloca() : memref<2x16x2016xf32, #tpu.memory_space<vmem>>
      %run_scoped3A_10 = tpu.sem_alloc : memref<2x!tpu.dma_semaphore, #tpu.memory_space<semaphore_mem>>
      %run_scoped3A_11 = memref.alloca() : memref<2x16x64xi32, #tpu.memory_space<vmem>>
      %run_scoped3A_12 = tpu.sem_alloc : memref<2x!tpu.dma_semaphore, #tpu.memory_space<semaphore_mem>>
      %add3A_13 = arith.constant 0 : i32
      %add3A_14 = arith.addi %add3A_13, %mul3A_9 : i32
      %select_n3A = arith.constant true
      %select_n3A_15 = arith.constant 0 : i32
      %select_n3A_16 = arith.constant -1 : i32
      %select_n3A_17 = arith.select %select_n3A, %select_n3A_16, %select_n3A_15 : i32
      %eq3A = arith.constant -1 : i32
      %eq3A_18 = arith.cmpi eq, %select_n3A_17, %eq3A : i32
      %select_n3A_19 = arith.constant 31 : i32
      %select_n3A_20 = arith.select %eq3A_18, %select_n3A_19, %select_n3A_17 : i32
      %select_n3A_21 = arith.constant 0 : i32
      %select_n3A_22 = arith.constant -1 : i32
      %select_n3A_23 = arith.select %eq3A_18, %select_n3A_22, %select_n3A_21 : i32
      %eq3A_24 = arith.constant -1 : i32
      %eq3A_25 = arith.cmpi eq, %select_n3A_23, %eq3A_24 : i32
      %select_n3A_26 = arith.constant 0 : i32
      %select_n3A_27 = arith.select %eq3A_25, %select_n3A_26, %select_n3A_23 : i32
      %add3A_28 = arith.constant 0 : i32
      %add3A_29 = arith.addi %add3A_28, %mul3A_9 : i32
      %add3A_30 = arith.constant 0 : i32
      %add3A_31 = arith.addi %select_n3A_20, %add3A_30 : i32
      %select_n3A_32 = arith.constant true
      %select_n3A_33 = arith.constant 0 : i32
      %select_n3A_34 = arith.constant 1 : i32
      %select_n3A_35 = arith.select %select_n3A_32, %select_n3A_34, %select_n3A_33 : i32
      %eq3A_36 = arith.constant 32 : i32
      %eq3A_37 = arith.cmpi eq, %select_n3A_35, %eq3A_36 : i32
      %select_n3A_38 = arith.constant 0 : i32
      %select_n3A_39 = arith.select %eq3A_37, %select_n3A_38, %select_n3A_35 : i32
      %select_n3A_40 = arith.constant 0 : i32
      %select_n3A_41 = arith.constant 1 : i32
      %select_n3A_42 = arith.select %eq3A_37, %select_n3A_41, %select_n3A_40 : i32
      %eq3A_43 = arith.constant 1 : i32
      %eq3A_44 = arith.cmpi eq, %select_n3A_42, %eq3A_43 : i32
      %select_n3A_45 = arith.constant 0 : i32
      %select_n3A_46 = arith.select %eq3A_44, %select_n3A_45, %select_n3A_42 : i32
      %add3A_47 = arith.constant 0 : i32
      %add3A_48 = arith.addi %add3A_47, %mul3A_9 : i32
      %add3A_49 = arith.constant 0 : i32
      %add3A_50 = arith.addi %select_n3A_39, %add3A_49 : i32
      %add3A_51 = arith.constant 1 : i32
      %add3A_52 = arith.addi %select_n3A_39, %add3A_51 : i32
      %select_n3A_53 = arith.constant true
      %select_n3A_54 = arith.select %select_n3A_53, %add3A_52, %select_n3A_39 : i32
      %eq3A_55 = arith.constant 32 : i32
      %eq3A_56 = arith.cmpi eq, %select_n3A_54, %eq3A_55 : i32
      %select_n3A_57 = arith.constant 0 : i32
      %select_n3A_58 = arith.select %eq3A_56, %select_n3A_57, %select_n3A_54 : i32
      %select_n3A_59 = arith.constant 0 : i32
      %select_n3A_60 = arith.constant 1 : i32
      %select_n3A_61 = arith.select %eq3A_56, %select_n3A_60, %select_n3A_59 : i32
      %eq3A_62 = arith.constant 1 : i32
      %eq3A_63 = arith.cmpi eq, %select_n3A_61, %eq3A_62 : i32
      %select_n3A_64 = arith.constant 0 : i32
      %select_n3A_65 = arith.select %eq3A_63, %select_n3A_64, %select_n3A_61 : i32
      %add3A_66 = arith.constant 0 : i32
      %add3A_67 = arith.addi %add3A_66, %mul3A_9 : i32
      %add3A_68 = arith.constant 0 : i32
      %add3A_69 = arith.addi %select_n3A_58, %add3A_68 : i32
      "tpu.trace_start"() <{level = 10 : i32, message = "ep_initialize_0"}> : () -> ()
      %rem3A = arith.constant 0 : i32
      %rem3A_70 = arith.constant 2 : i32
      %rem3A_71 = arith.remui %rem3A, %rem3A_70 : i32
      %mul3A_72 = arith.constant 32 : i32
      %mul3A_73 = arith.muli %add3A_14, %mul3A_72 : i32
      %add3A_74 = arith.constant 0 : i32
      %add3A_75 = arith.addi %mul3A_73, %add3A_74 : i32
      %add3A_76 = arith.constant 0 : i32
      %add3A_77 = arith.addi %add3A_75, %add3A_76 : i32
      %mul3A_78 = arith.constant 16 : i32
      %mul3A_79 = arith.muli %mul3A_78, %add3A_77 : i32
      %dma_start3A = arith.constant 0 : i32
      %dma_start3A_80 = arith.constant 0 : i32
      %dma_start3A_81 = tpu.memref_slice %run_scoped3A[%rem3A_71, %dma_start3A, %dma_start3A_80] : memref<2x16x2016xf32, #tpu.memory_space<vmem>> -> memref<1x16x2016xf32, #tpu.memory_space<vmem>>
      %dma_start3A_82 = tpu.memref_squeeze %dma_start3A_81 : memref<1x16x2016xf32, #tpu.memory_space<vmem>> -> memref<16x2016xf32, #tpu.memory_space<vmem>>
      %dma_start3A_83 = arith.constant 0 : i32
      %dma_start3A_84 = tpu.memref_slice %arg2[%mul3A_79, %dma_start3A_83] : memref<16384x2016xf32, #tpu.memory_space<hbm>> -> memref<16x2016xf32, #tpu.memory_space<hbm>>
      %dma_start3A_85 = tpu.memref_slice %run_scoped3A_10[%rem3A_71] : memref<2x!tpu.dma_semaphore, #tpu.memory_space<semaphore_mem>> -> memref<1x!tpu.dma_semaphore, #tpu.memory_space<semaphore_mem>>
      %dma_start3A_86 = tpu.memref_squeeze %dma_start3A_85 : memref<1x!tpu.dma_semaphore, #tpu.memory_space<semaphore_mem>> -> memref<!tpu.dma_semaphore, #tpu.memory_space<semaphore_mem>>
      %dma_start3A_87 = arith.constant 0 : i32
      %dma_start3A_88 = arith.constant 0 : i32
      %dma_start3A_89 = tpu.memref_slice %run_scoped3A[%rem3A_71, %dma_start3A_87, %dma_start3A_88] : memref<2x16x2016xf32, #tpu.memory_space<vmem>> -> memref<1x16x2016xf32, #tpu.memory_space<vmem>>
      %dma_start3A_90 = tpu.memref_squeeze %dma_start3A_89 : memref<1x16x2016xf32, #tpu.memory_space<vmem>> -> memref<16x2016xf32, #tpu.memory_space<vmem>>
      %dma_start3A_91 = arith.constant 0 : i32
      %dma_start3A_92 = tpu.memref_slice %arg2[%mul3A_79, %dma_start3A_91] : memref<16384x2016xf32, #tpu.memory_space<hbm>> -> memref<16x2016xf32, #tpu.memory_space<hbm>>
      tpu.enqueue_dma source(%dma_start3A_92 : memref<16x2016xf32, #tpu.memory_space<hbm>>) target(%dma_start3A_90 : memref<16x2016xf32, #tpu.memory_space<vmem>>) target_semaphore(%dma_start3A_86 : memref<!tpu.dma_semaphore, #tpu.memory_space<semaphore_mem>>)
      %add3A_93 = arith.constant 0 : i32
      %add3A_94 = arith.constant 1 : i32
      %add3A_95 = arith.addi %add3A_93, %add3A_94 : i32
      %select_n3A_96 = arith.constant true
      %select_n3A_97 = arith.constant 0 : i32
      %select_n3A_98 = arith.select %select_n3A_96, %add3A_95, %select_n3A_97 : i32
      "tpu.trace_stop"() : () -> ()
      %scan3A = arith.constant 0 : i32
      %scan3A_99 = arith.constant 0 : i32
      %scan3A_100 = arith.constant 0 : i32
      %scan3A_101 = arith.constant 0 : i32
      %scan3A_102 = arith.constant 0 : i32
      %scan3A_103 = arith.constant 0 : i32
      %scan3A_104 = arith.constant 32 : i32
      %scan3A_105 = arith.addi %scan3A_103, %scan3A_104 : i32
      %scan3A_106 = arith.constant 1 : i32
      %scan3A_107:6 = scf.for %scan3A_204 = %scan3A_103 to %scan3A_105 step %scan3A_106 iter_args(%scan3A_205 = %select_n3A_98, %scan3A_206 = %scan3A, %scan3A_207 = %scan3A_99, %scan3A_208 = %scan3A_100, %scan3A_209 = %scan3A_101, %scan3A_210 = %scan3A_102) -> (i32, i32, i32, i32, i32, i32)  : i32 {
        %eq3A_211 = arith.constant 0 : i32
        %eq3A_212 = arith.cmpi eq, %scan3A_204, %eq3A_211 : i32
        %eq3A_213 = arith.constant 31 : i32
        %eq3A_214 = arith.cmpi eq, %scan3A_204, %eq3A_213 : i32
        %add3A_215 = arith.constant 0 : i32
        %add3A_216 = arith.addi %add3A_215, %mul3A_9 : i32
        %add3A_217 = arith.constant 0 : i32
        %add3A_218 = arith.addi %scan3A_210, %add3A_217 : i32
        %sub3A_219 = arith.constant 1 : i32
        %sub3A_220 = arith.subi %scan3A_210, %sub3A_219 : i32
        %select_n3A_221 = arith.constant true
        %select_n3A_222 = arith.select %select_n3A_221, %sub3A_220, %scan3A_210 : i32
        %eq3A_223 = arith.constant -1 : i32
        %eq3A_224 = arith.cmpi eq, %select_n3A_222, %eq3A_223 : i32
        %select_n3A_225 = arith.constant 31 : i32
        %select_n3A_226 = arith.select %eq3A_224, %select_n3A_225, %select_n3A_222 : i32
        %select_n3A_227 = arith.constant 0 : i32
        %select_n3A_228 = arith.constant -1 : i32
        %select_n3A_229 = arith.select %eq3A_224, %select_n3A_228, %select_n3A_227 : i32
        %eq3A_230 = arith.constant -1 : i32
        %eq3A_231 = arith.cmpi eq, %select_n3A_229, %eq3A_230 : i32
        %select_n3A_232 = arith.constant 0 : i32
        %select_n3A_233 = arith.select %eq3A_231, %select_n3A_232, %select_n3A_229 : i32
        %add3A_234 = arith.constant 0 : i32
        %add3A_235 = arith.addi %add3A_234, %mul3A_9 : i32
        %add3A_236 = arith.constant 0 : i32
        %add3A_237 = arith.addi %select_n3A_226, %add3A_236 : i32
        %add3A_238 = arith.constant 1 : i32
        %add3A_239 = arith.addi %scan3A_210, %add3A_238 : i32
        %select_n3A_240 = arith.constant true
        %select_n3A_241 = arith.select %select_n3A_240, %add3A_239, %scan3A_210 : i32
        %eq3A_242 = arith.constant 32 : i32
        %eq3A_243 = arith.cmpi eq, %select_n3A_241, %eq3A_242 : i32
        %select_n3A_244 = arith.constant 0 : i32
        %select_n3A_245 = arith.select %eq3A_243, %select_n3A_244, %select_n3A_241 : i32
        %select_n3A_246 = arith.constant 0 : i32
        %select_n3A_247 = arith.constant 1 : i32
        %select_n3A_248 = arith.select %eq3A_243, %select_n3A_247, %select_n3A_246 : i32
        %eq3A_249 = arith.constant 1 : i32
        %eq3A_250 = arith.cmpi eq, %select_n3A_248, %eq3A_249 : i32
        %select_n3A_251 = arith.constant 0 : i32
        %select_n3A_252 = arith.select %eq3A_250, %select_n3A_251, %select_n3A_248 : i32
        %add3A_253 = arith.constant 0 : i32
        %add3A_254 = arith.addi %add3A_253, %mul3A_9 : i32
        %add3A_255 = arith.constant 0 : i32
        %add3A_256 = arith.addi %select_n3A_245, %add3A_255 : i32
        %add3A_257 = arith.constant 1 : i32
        %add3A_258 = arith.addi %select_n3A_245, %add3A_257 : i32
        %select_n3A_259 = arith.constant true
        %select_n3A_260 = arith.select %select_n3A_259, %add3A_258, %select_n3A_245 : i32
        %eq3A_261 = arith.constant 32 : i32
        %eq3A_262 = arith.cmpi eq, %select_n3A_260, %eq3A_261 : i32
        %select_n3A_263 = arith.constant 0 : i32
        %select_n3A_264 = arith.select %eq3A_262, %select_n3A_263, %select_n3A_260 : i32
        %select_n3A_265 = arith.constant 0 : i32
        %select_n3A_266 = arith.constant 1 : i32
        %select_n3A_267 = arith.select %eq3A_262, %select_n3A_266, %select_n3A_265 : i32
        %eq3A_268 = arith.constant 1 : i32
        %eq3A_269 = arith.cmpi eq, %select_n3A_267, %eq3A_268 : i32
        %select_n3A_270 = arith.constant 0 : i32
        %select_n3A_271 = arith.select %eq3A_269, %select_n3A_270, %select_n3A_267 : i32
        %add3A_272 = arith.constant 0 : i32
        %add3A_273 = arith.addi %add3A_272, %mul3A_9 : i32
        %add3A_274 = arith.constant 0 : i32
        %add3A_275 = arith.addi %select_n3A_264, %add3A_274 : i32
        %mul3A_276 = arith.constant 32 : i32
        %mul3A_277 = arith.muli %add3A_216, %mul3A_276 : i32
        %add3A_278 = arith.addi %mul3A_277, %add3A_218 : i32
        %add3A_279 = arith.constant 0 : i32
        %add3A_280 = arith.addi %add3A_278, %add3A_279 : i32
        %mul3A_281 = arith.constant 32 : i32
        %mul3A_282 = arith.muli %add3A_254, %mul3A_281 : i32
        %add3A_283 = arith.addi %mul3A_282, %add3A_256 : i32
        %add3A_284 = arith.constant 0 : i32
        %add3A_285 = arith.addi %add3A_283, %add3A_284 : i32
        %ne3A = arith.cmpi ne, %add3A_280, %add3A_285 : i32
        %or3A = arith.constant false
        %or3A_286 = arith.ori %or3A, %ne3A : i1
        %or3A_287 = arith.constant false
        %or3A_288 = arith.ori %or3A_286, %or3A_287 : i1
        %ge3A = arith.constant 31 : i32
        %ge3A_289 = arith.cmpi sge, %scan3A_204, %ge3A : i32
        %not3A = arith.constant true
        %not3A_290 = arith.xori %ge3A_289, %not3A : i1
        %and3A = arith.andi %or3A_288, %not3A_290 : i1
        %convert_element_type3A = arith.extui %and3A : i1 to i32
        %cond3A = arith.constant 0 : i32
        %cond3A_291 = arith.cmpi ne, %convert_element_type3A, %cond3A : i32
        scf.if %cond3A_291 {
          "tpu.trace_start"() <{level = 10 : i32, message = "ep_copy_in"}> : () -> ()
          %rem3A_487 = arith.constant 2 : i32
          %rem3A_488 = arith.remui %scan3A_205, %rem3A_487 : i32
          %mul3A_489 = arith.constant 32 : i32
          %mul3A_490 = arith.muli %add3A_254, %mul3A_489 : i32
          %add3A_491 = arith.addi %mul3A_490, %add3A_256 : i32
          %add3A_492 = arith.constant 0 : i32
          %add3A_493 = arith.addi %add3A_491, %add3A_492 : i32
          %mul3A_494 = arith.constant 16 : i32
          %mul3A_495 = arith.muli %mul3A_494, %add3A_493 : i32
          %dma_start3A_496 = arith.constant 0 : i32
          %dma_start3A_497 = arith.constant 0 : i32
          %dma_start3A_498 = tpu.memref_slice %run_scoped3A[%rem3A_488, %dma_start3A_496, %dma_start3A_497] : memref<2x16x2016xf32, #tpu.memory_space<vmem>> -> memref<1x16x2016xf32, #tpu.memory_space<vmem>>
          %dma_start3A_499 = tpu.memref_squeeze %dma_start3A_498 : memref<1x16x2016xf32, #tpu.memory_space<vmem>> -> memref<16x2016xf32, #tpu.memory_space<vmem>>
          %dma_start3A_500 = arith.constant 0 : i32
          %dma_start3A_501 = tpu.memref_slice %arg2[%mul3A_495, %dma_start3A_500] : memref<16384x2016xf32, #tpu.memory_space<hbm>> -> memref<16x2016xf32, #tpu.memory_space<hbm>>
          %dma_start3A_502 = tpu.memref_slice %run_scoped3A_10[%rem3A_488] : memref<2x!tpu.dma_semaphore, #tpu.memory_space<semaphore_mem>> -> memref<1x!tpu.dma_semaphore, #tpu.memory_space<semaphore_mem>>
          %dma_start3A_503 = tpu.memref_squeeze %dma_start3A_502 : memref<1x!tpu.dma_semaphore, #tpu.memory_space<semaphore_mem>> -> memref<!tpu.dma_semaphore, #tpu.memory_space<semaphore_mem>>
          %dma_start3A_504 = arith.constant 0 : i32
          %dma_start3A_505 = arith.constant 0 : i32
          %dma_start3A_506 = tpu.memref_slice %run_scoped3A[%rem3A_488, %dma_start3A_504, %dma_start3A_505] : memref<2x16x2016xf32, #tpu.memory_space<vmem>> -> memref<1x16x2016xf32, #tpu.memory_space<vmem>>
          %dma_start3A_507 = tpu.memref_squeeze %dma_start3A_506 : memref<1x16x2016xf32, #tpu.memory_space<vmem>> -> memref<16x2016xf32, #tpu.memory_space<vmem>>
          %dma_start3A_508 = arith.constant 0 : i32
          %dma_start3A_509 = tpu.memref_slice %arg2[%mul3A_495, %dma_start3A_508] : memref<16384x2016xf32, #tpu.memory_space<hbm>> -> memref<16x2016xf32, #tpu.memory_space<hbm>>
          tpu.enqueue_dma source(%dma_start3A_509 : memref<16x2016xf32, #tpu.memory_space<hbm>>) target(%dma_start3A_507 : memref<16x2016xf32, #tpu.memory_space<vmem>>) target_semaphore(%dma_start3A_503 : memref<!tpu.dma_semaphore, #tpu.memory_space<semaphore_mem>>)
          "tpu.trace_stop"() : () -> ()
        } else {
        }
        %and3A_292 = arith.constant true
        %and3A_293 = arith.andi %and3A, %and3A_292 : i1
        %add3A_294 = arith.constant 1 : i32
        %add3A_295 = arith.addi %scan3A_205, %add3A_294 : i32
        %select_n3A_296 = arith.select %and3A_293, %add3A_295, %scan3A_205 : i32
        %mul3A_297 = arith.constant 32 : i32
        %mul3A_298 = arith.muli %add3A_216, %mul3A_297 : i32
        %add3A_299 = arith.addi %mul3A_298, %add3A_218 : i32
        %mul3A_300 = arith.constant 32 : i32
        %mul3A_301 = arith.muli %add3A_254, %mul3A_300 : i32
        %add3A_302 = arith.addi %mul3A_301, %add3A_256 : i32
        %ne3A_303 = arith.cmpi ne, %add3A_299, %add3A_302 : i32
        %or3A_304 = arith.constant false
        %or3A_305 = arith.ori %or3A_304, %ne3A_303 : i1
        %or3A_306 = arith.constant false
        %or3A_307 = arith.ori %or3A_305, %or3A_306 : i1
        %ge3A_308 = arith.constant 31 : i32
        %ge3A_309 = arith.cmpi sge, %scan3A_204, %ge3A_308 : i32
        %not3A_310 = arith.constant true
        %not3A_311 = arith.xori %ge3A_309, %not3A_310 : i1
        %and3A_312 = arith.andi %or3A_307, %not3A_311 : i1
        %mul3A_313 = arith.constant 32 : i32
        %mul3A_314 = arith.muli %add3A_216, %mul3A_313 : i32
        %add3A_315 = arith.addi %mul3A_314, %add3A_218 : i32
        %add3A_316 = arith.constant 0 : i32
        %add3A_317 = arith.addi %add3A_315, %add3A_316 : i32
        %mul3A_318 = arith.constant 32 : i32
        %mul3A_319 = arith.muli %add3A_235, %mul3A_318 : i32
        %add3A_320 = arith.addi %mul3A_319, %add3A_237 : i32
        %add3A_321 = arith.constant 0 : i32
        %add3A_322 = arith.addi %add3A_320, %add3A_321 : i32
        %ne3A_323 = arith.cmpi ne, %add3A_317, %add3A_322 : i32
        %or3A_324 = arith.constant false
        %or3A_325 = arith.ori %or3A_324, %ne3A_323 : i1
        %or3A_326 = arith.constant false
        %or3A_327 = arith.ori %or3A_325, %or3A_326 : i1
        %or3A_328 = arith.ori %or3A_327, %eq3A_212 : i1
        %convert_element_type3A_329 = arith.extui %or3A_328 : i1 to i32
        %cond3A_330 = arith.constant 0 : i32
        %cond3A_331 = arith.cmpi ne, %convert_element_type3A_329, %cond3A_330 : i32
        scf.if %cond3A_331 {
          "tpu.trace_start"() <{level = 10 : i32, message = "ep_wait_in"}> : () -> ()
          %mul3A_487 = arith.constant 32 : i32
          %mul3A_488 = arith.muli %add3A_216, %mul3A_487 : i32
          %add3A_489 = arith.addi %mul3A_488, %add3A_218 : i32
          %add3A_490 = arith.constant 0 : i32
          %add3A_491 = arith.addi %add3A_489, %add3A_490 : i32
          %mul3A_492 = arith.constant 16 : i32
          %mul3A_493 = arith.muli %mul3A_492, %add3A_491 : i32
          %rem3A_494 = arith.constant 2 : i32
          %rem3A_495 = arith.remui %scan3A_206, %rem3A_494 : i32
          %dma_wait3A_496 = arith.constant 0 : i32
          %dma_wait3A_497 = arith.constant 0 : i32
          %dma_wait3A_498 = tpu.memref_slice %run_scoped3A[%rem3A_495, %dma_wait3A_496, %dma_wait3A_497] : memref<2x16x2016xf32, #tpu.memory_space<vmem>> -> memref<1x16x2016xf32, #tpu.memory_space<vmem>>
          %dma_wait3A_499 = tpu.memref_squeeze %dma_wait3A_498 : memref<1x16x2016xf32, #tpu.memory_space<vmem>> -> memref<16x2016xf32, #tpu.memory_space<vmem>>
          %dma_wait3A_500 = arith.constant 0 : i32
          %dma_wait3A_501 = tpu.memref_slice %arg2[%mul3A_493, %dma_wait3A_500] : memref<16384x2016xf32, #tpu.memory_space<hbm>> -> memref<16x2016xf32, #tpu.memory_space<hbm>>
          %dma_wait3A_502 = tpu.memref_slice %run_scoped3A_10[%rem3A_495] : memref<2x!tpu.dma_semaphore, #tpu.memory_space<semaphore_mem>> -> memref<1x!tpu.dma_semaphore, #tpu.memory_space<semaphore_mem>>
          %dma_wait3A_503 = tpu.memref_squeeze %dma_wait3A_502 : memref<1x!tpu.dma_semaphore, #tpu.memory_space<semaphore_mem>> -> memref<!tpu.dma_semaphore, #tpu.memory_space<semaphore_mem>>
          %dma_wait3A_504 = arith.constant 0 : i32
          %dma_wait3A_505 = arith.constant 0 : i32
          %dma_wait3A_506 = tpu.memref_slice %run_scoped3A[%rem3A_495, %dma_wait3A_504, %dma_wait3A_505] : memref<2x16x2016xf32, #tpu.memory_space<vmem>> -> memref<1x16x2016xf32, #tpu.memory_space<vmem>>
          %dma_wait3A_507 = tpu.memref_squeeze %dma_wait3A_506 : memref<1x16x2016xf32, #tpu.memory_space<vmem>> -> memref<16x2016xf32, #tpu.memory_space<vmem>>
          %dma_wait3A_508 = arith.constant 0 : i32
          %dma_wait3A_509 = tpu.memref_slice %arg2[%mul3A_493, %dma_wait3A_508] : memref<16384x2016xf32, #tpu.memory_space<hbm>> -> memref<16x2016xf32, #tpu.memory_space<hbm>>
          tpu.wait_dma2 semaphore(%dma_wait3A_503 : memref<!tpu.dma_semaphore, #tpu.memory_space<semaphore_mem>>) src(%dma_wait3A_509 : memref<16x2016xf32, #tpu.memory_space<hbm>>) dst(%dma_wait3A_507 : memref<16x2016xf32, #tpu.memory_space<vmem>>)
          "tpu.trace_stop"() : () -> ()
        } else {
        }
        %mul3A_332 = arith.constant 32 : i32
        %mul3A_333 = arith.muli %add3A_216, %mul3A_332 : i32
        %add3A_334 = arith.addi %mul3A_333, %add3A_218 : i32
        %mul3A_335 = arith.constant 32 : i32
        %mul3A_336 = arith.muli %add3A_235, %mul3A_335 : i32
        %add3A_337 = arith.addi %mul3A_336, %add3A_237 : i32
        %ne3A_338 = arith.cmpi ne, %add3A_334, %add3A_337 : i32
        %or3A_339 = arith.constant false
        %or3A_340 = arith.ori %or3A_339, %ne3A_338 : i1
        %or3A_341 = arith.constant false
        %or3A_342 = arith.ori %or3A_340, %or3A_341 : i1
        %or3A_343 = arith.ori %or3A_342, %eq3A_212 : i1
        %convert_element_type3A_344 = arith.extui %or3A_343 : i1 to i32
        %cond3A_345 = arith.constant 0 : i32
        %cond3A_346 = arith.cmpi ne, %convert_element_type3A_344, %cond3A_345 : i32
        scf.if %cond3A_346 {
        } else {
        }
        %rem3A_347 = arith.constant 2 : i32
        %rem3A_348 = arith.remui %scan3A_206, %rem3A_347 : i32
        %rem3A_349 = arith.constant 2 : i32
        %rem3A_350 = arith.remui %scan3A_207, %rem3A_349 : i32
        "tpu.trace_start"() <{level = 10 : i32, message = "ep_run_kernel"}> : () -> ()
        %scan3A_351 = arith.constant 0 : i32
        %scan3A_352 = arith.constant 64 : i32
        %scan3A_353 = arith.addi %scan3A_351, %scan3A_352 : i32
        %scan3A_354 = arith.constant 1 : i32
        scf.for %scan3A_487 = %scan3A_351 to %scan3A_353 step %scan3A_354  : i32 {
          %mul3A_488 = arith.constant 1 : i32
          %mul3A_489 = arith.muli %scan3A_487, %mul3A_488 : i32
          %add3A_490 = arith.constant 0 : i32
          %add3A_491 = arith.addi %add3A_490, %mul3A_489 : i32
          %mul3A_492 = arith.constant 16 : i32
          %mul3A_493 = arith.muli %add3A_491, %mul3A_492 : i32
          %swap3A = arith.index_cast %mul3A_493 : i32 to index
          %swap3A_494 = tpu.vector_load %arg8[%swap3A] {strides = array<i32>} : memref<1024xi32, #tpu.memory_space<vmem>>, vector<16xi32>,
          tpu.vector_store %arg8[%swap3A], %broadcast_in_dim3A_2 {strides = array<i32>} : memref<1024xi32, #tpu.memory_space<vmem>>, vector<16xi32>,
        }
        %scan3A_355 = arith.constant 64 : i32
        %scan3A_356 = arith.constant 0 : i32
        %scan3A_357 = arith.constant 126 : i32
        %scan3A_358 = arith.addi %scan3A_356, %scan3A_357 : i32
        %scan3A_359 = arith.constant 1 : i32
        scf.for %scan3A_487 = %scan3A_356 to %scan3A_358 step %scan3A_359  : i32 {
          %mul3A_488 = arith.constant 1 : i32
          %mul3A_489 = arith.muli %scan3A_487, %mul3A_488 : i32
          %add3A_490 = arith.constant 0 : i32
          %add3A_491 = arith.addi %add3A_490, %mul3A_489 : i32
          %mul3A_492 = arith.constant 16 : i32
          %mul3A_493 = arith.muli %add3A_491, %mul3A_492 : i32
          %get3A = arith.index_cast %mul3A_493 : i32 to index
          %get3A_494 = tpu.vector_load %arg6[%get3A] {strides = array<i32>} : memref<2016xi32, #tpu.memory_space<vmem>>, vector<16xi32>,
          %mul3A_495 = arith.constant 16 : i32
          %mul3A_496 = arith.muli %add3A_491, %mul3A_495 : i32
          %get3A_497 = arith.index_cast %mul3A_496 : i32 to index
          %get3A_498 = tpu.vector_load %arg7[%get3A_497] {strides = array<i32>} : memref<2016xi32, #tpu.memory_space<vmem>>, vector<16xi32>,
          %scan3A_499 = arith.constant 0 : i32
          %scan3A_500 = arith.constant 16 : i32
          %scan3A_501 = arith.addi %scan3A_499, %scan3A_500 : i32
          %scan3A_502 = arith.constant 1 : i32
          scf.for %scan3A_504 = %scan3A_499 to %scan3A_501 step %scan3A_502  : i32 {
            %mul3A_505 = arith.constant 1 : i32
            %mul3A_506 = arith.muli %scan3A_504, %mul3A_505 : i32
            %add3A_507 = arith.constant 0 : i32
            %add3A_508 = arith.addi %add3A_507, %mul3A_506 : i32
            %mul3A_509 = arith.constant 16 : i32
            %mul3A_510 = arith.muli %add3A_491, %mul3A_509 : i32
            %get3A_511 = arith.constant 0 : i32
            %get3A_512 = arith.constant 0 : i32
            %get3A_513 = tpu.memref_slice %run_scoped3A[%rem3A_348, %get3A_511, %get3A_512] : memref<2x16x2016xf32, #tpu.memory_space<vmem>> -> memref<1x16x2016xf32, #tpu.memory_space<vmem>>
            %get3A_514 = tpu.memref_squeeze %get3A_513 : memref<1x16x2016xf32, #tpu.memory_space<vmem>> -> memref<16x2016xf32, #tpu.memory_space<vmem>>
            %get3A_515 = arith.index_cast %add3A_508 : i32 to index
            %get3A_516 = arith.index_cast %mul3A_510 : i32 to index
            %get3A_517 = tpu.vector_load %get3A_514[%get3A_515, %get3A_516] {strides = array<i32>} : memref<16x2016xf32, #tpu.memory_space<vmem>>, vector<16xf32>,
            %gt3A = arith.constant 5.000000e-01 : f32
            %gt3A_518 = vector.broadcast %gt3A : f32 to vector<16xf32>
            %gt3A_519 = arith.cmpf ogt, %get3A_517, %gt3A_518 : vector<16xf32>
            %select_n3A_520 = arith.select %gt3A_519, %get3A_498, %get3A_494 : vector<16xi1>, vector<16xi32>
            %mul3A_521 = arith.constant 64 : i32
            %mul3A_522 = arith.muli %add3A_508, %mul3A_521 : i32
            %add3A_523 = vector.broadcast %mul3A_522 : i32 to vector<16xi32>
            %add3A_524 = arith.addi %select_n3A_520, %add3A_523 : vector<16xi32>
            tpu.vector_store_idx %arg8[%add3A_524], %broadcast_in_dim3A_0 {add = true} : memref<1024xi32, #tpu.memory_space<vmem>>[vector<16xi32>], vector<16xi32>,
          }
          %scan3A_503 = arith.constant 16 : i32
        }
        %scan3A_360 = arith.constant 126 : i32
        %scan3A_361 = arith.constant 0 : i32
        %scan3A_362 = arith.constant 16 : i32
        %scan3A_363 = arith.addi %scan3A_361, %scan3A_362 : i32
        %scan3A_364 = arith.constant 1 : i32
        scf.for %scan3A_487 = %scan3A_361 to %scan3A_363 step %scan3A_364  : i32 {
          %mul3A_488 = arith.constant 1 : i32
          %mul3A_489 = arith.muli %scan3A_487, %mul3A_488 : i32
          %add3A_490 = arith.constant 0 : i32
          %add3A_491 = arith.addi %add3A_490, %mul3A_489 : i32
          %mul3A_492 = arith.constant 64 : i32
          %mul3A_493 = arith.muli %add3A_491, %mul3A_492 : i32
          %add3A_494 = arith.constant 0 : i32
          %add3A_495 = arith.addi %mul3A_493, %add3A_494 : i32
          %get3A = arith.index_cast %add3A_495 : i32 to index
          %get3A_496 = tpu.vector_load %arg8[%get3A] {strides = array<i32>} : memref<1024xi32, #tpu.memory_space<vmem>>, vector<16xi32>,
          %mul3A_497 = arith.constant 64 : i32
          %mul3A_498 = vector.broadcast %mul3A_497 : i32 to vector<16xi32>
          %mul3A_499 = arith.muli %get3A_496, %mul3A_498 : vector<16xi32>
          %add3A_500 = arith.constant 63 : i32
          %add3A_501 = vector.broadcast %add3A_500 : i32 to vector<16xi32>
          %add3A_502 = arith.addi %mul3A_499, %add3A_501 : vector<16xi32>
          %sub3A_503 = arith.subi %add3A_502, %iota3A : vector<16xi32>
          %mul3A_504 = arith.constant 64 : i32
          %mul3A_505 = arith.muli %add3A_491, %mul3A_504 : i32
          %add3A_506 = arith.constant 16 : i32
          %add3A_507 = arith.addi %mul3A_505, %add3A_506 : i32
          %get3A_508 = arith.index_cast %add3A_507 : i32 to index
          %get3A_509 = tpu.vector_load %arg8[%get3A_508] {strides = array<i32>} : memref<1024xi32, #tpu.memory_space<vmem>>, vector<16xi32>,
          %mul3A_510 = arith.constant 64 : i32
          %mul3A_511 = vector.broadcast %mul3A_510 : i32 to vector<16xi32>
          %mul3A_512 = arith.muli %get3A_509, %mul3A_511 : vector<16xi32>
          %add3A_513 = arith.constant 47 : i32
          %add3A_514 = vector.broadcast %add3A_513 : i32 to vector<16xi32>
          %add3A_515 = arith.addi %mul3A_512, %add3A_514 : vector<16xi32>
          %sub3A_516 = arith.subi %add3A_515, %iota3A : vector<16xi32>
          %mul3A_517 = arith.constant 64 : i32
          %mul3A_518 = arith.muli %add3A_491, %mul3A_517 : i32
          %add3A_519 = arith.constant 32 : i32
          %add3A_520 = arith.addi %mul3A_518, %add3A_519 : i32
          %get3A_521 = arith.index_cast %add3A_520 : i32 to index
          %get3A_522 = tpu.vector_load %arg8[%get3A_521] {strides = array<i32>} : memref<1024xi32, #tpu.memory_space<vmem>>, vector<16xi32>,
          %mul3A_523 = arith.constant 64 : i32
          %mul3A_524 = vector.broadcast %mul3A_523 : i32 to vector<16xi32>
          %mul3A_525 = arith.muli %get3A_522, %mul3A_524 : vector<16xi32>
          %add3A_526 = arith.constant 31 : i32
          %add3A_527 = vector.broadcast %add3A_526 : i32 to vector<16xi32>
          %add3A_528 = arith.addi %mul3A_525, %add3A_527 : vector<16xi32>
          %sub3A_529 = arith.subi %add3A_528, %iota3A : vector<16xi32>
          %mul3A_530 = arith.constant 64 : i32
          %mul3A_531 = arith.muli %add3A_491, %mul3A_530 : i32
          %add3A_532 = arith.constant 48 : i32
          %add3A_533 = arith.addi %mul3A_531, %add3A_532 : i32
          %get3A_534 = arith.index_cast %add3A_533 : i32 to index
          %get3A_535 = tpu.vector_load %arg8[%get3A_534] {strides = array<i32>} : memref<1024xi32, #tpu.memory_space<vmem>>, vector<16xi32>,
          %mul3A_536 = arith.constant 64 : i32
          %mul3A_537 = vector.broadcast %mul3A_536 : i32 to vector<16xi32>
          %mul3A_538 = arith.muli %get3A_535, %mul3A_537 : vector<16xi32>
          %add3A_539 = arith.constant 15 : i32
          %add3A_540 = vector.broadcast %add3A_539 : i32 to vector<16xi32>
          %add3A_541 = arith.addi %mul3A_538, %add3A_540 : vector<16xi32>
          %sub3A_542 = arith.subi %add3A_541, %iota3A : vector<16xi32>
          %max3A = arith.maxsi %sub3A_503, %sub3A_516 : vector<16xi32>
          %max3A_543 = arith.maxsi %sub3A_529, %sub3A_542 : vector<16xi32>
          %max3A_544 = arith.maxsi %max3A, %max3A_543 : vector<16xi32>
          %reduce_max3A = arith.constant true
          %reduce_max3A_545 = vector.broadcast %reduce_max3A : i1 to vector<16xi1>
          %reduce_max3A_546 = arith.constant -2147483648 : i32
          %reduce_max3A_547 = vector.broadcast %reduce_max3A_546 : i32 to vector<16xi32>
          %reduce_max3A_548 = arith.xori %max3A_544, %reduce_max3A_547 : vector<16xi32>
          %reduce_max3A_549 = tpu.scan <max>, %reduce_max3A_548 masked %reduce_max3A_545 : vector<16xi32>, vector<16xi1> -> vector<16xi32>
          %reduce_max3A_550 = arith.xori %reduce_max3A_549, %reduce_max3A_547 : vector<16xi32>
          %reduce_max3A_551 = vector.extract %reduce_max3A_550[15] : i32 from vector<16xi32>
          %eq3A_552 = vector.broadcast %reduce_max3A_551 : i32 to vector<16xi32>
          %eq3A_553 = arith.cmpi eq, %sub3A_503, %eq3A_552 : vector<16xi32>
          %convert_element_type3A_554 = arith.extui %eq3A_553 : vector<16xi1> to vector<16xi32>
          %swap3A = arith.constant 0 : i32
          %swap3A_555 = arith.constant 0 : i32
          %swap3A_556 = tpu.memref_slice %run_scoped3A_11[%rem3A_350, %swap3A, %swap3A_555] : memref<2x16x64xi32, #tpu.memory_space<vmem>> -> memref<1x16x64xi32, #tpu.memory_space<vmem>>
          %swap3A_557 = tpu.memref_squeeze %swap3A_556 : memref<1x16x64xi32, #tpu.memory_space<vmem>> -> memref<16x64xi32, #tpu.memory_space<vmem>>
          %swap3A_558 = arith.index_cast %add3A_491 : i32 to index
          %swap3A_559 = arith.constant 0 : index
          %swap3A_560 = tpu.vector_load %swap3A_557[%swap3A_558, %swap3A_559] {strides = array<i32>} : memref<16x64xi32, #tpu.memory_space<vmem>>, vector<16xi32>,
          tpu.vector_store %swap3A_557[%swap3A_558, %swap3A_559], %convert_element_type3A_554 {strides = array<i32>} : memref<16x64xi32, #tpu.memory_space<vmem>>, vector<16xi32>,
          %eq3A_561 = vector.broadcast %reduce_max3A_551 : i32 to vector<16xi32>
          %eq3A_562 = arith.cmpi eq, %sub3A_516, %eq3A_561 : vector<16xi32>
          %convert_element_type3A_563 = arith.extui %eq3A_562 : vector<16xi1> to vector<16xi32>
          %swap3A_564 = arith.constant 0 : i32
          %swap3A_565 = arith.constant 0 : i32
          %swap3A_566 = tpu.memref_slice %run_scoped3A_11[%rem3A_350, %swap3A_564, %swap3A_565] : memref<2x16x64xi32, #tpu.memory_space<vmem>> -> memref<1x16x64xi32, #tpu.memory_space<vmem>>
          %swap3A_567 = tpu.memref_squeeze %swap3A_566 : memref<1x16x64xi32, #tpu.memory_space<vmem>> -> memref<16x64xi32, #tpu.memory_space<vmem>>
          %swap3A_568 = arith.index_cast %add3A_491 : i32 to index
          %swap3A_569 = arith.constant 16 : index
          %swap3A_570 = tpu.vector_load %swap3A_567[%swap3A_568, %swap3A_569] {strides = array<i32>} : memref<16x64xi32, #tpu.memory_space<vmem>>, vector<16xi32>,
          tpu.vector_store %swap3A_567[%swap3A_568, %swap3A_569], %convert_element_type3A_563 {strides = array<i32>} : memref<16x64xi32, #tpu.memory_space<vmem>>, vector<16xi32>,
          %eq3A_571 = vector.broadcast %reduce_max3A_551 : i32 to vector<16xi32>
          %eq3A_572 = arith.cmpi eq, %sub3A_529, %eq3A_571 : vector<16xi32>
          %convert_element_type3A_573 = arith.extui %eq3A_572 : vector<16xi1> to vector<16xi32>
          %swap3A_574 = arith.constant 0 : i32
          %swap3A_575 = arith.constant 0 : i32
          %swap3A_576 = tpu.memref_slice %run_scoped3A_11[%rem3A_350, %swap3A_574, %swap3A_575] : memref<2x16x64xi32, #tpu.memory_space<vmem>> -> memref<1x16x64xi32, #tpu.memory_space<vmem>>
          %swap3A_577 = tpu.memref_squeeze %swap3A_576 : memref<1x16x64xi32, #tpu.memory_space<vmem>> -> memref<16x64xi32, #tpu.memory_space<vmem>>
          %swap3A_578 = arith.index_cast %add3A_491 : i32 to index
          %swap3A_579 = arith.constant 32 : index
          %swap3A_580 = tpu.vector_load %swap3A_577[%swap3A_578, %swap3A_579] {strides = array<i32>} : memref<16x64xi32, #tpu.memory_space<vmem>>, vector<16xi32>,
          tpu.vector_store %swap3A_577[%swap3A_578, %swap3A_579], %convert_element_type3A_573 {strides = array<i32>} : memref<16x64xi32, #tpu.memory_space<vmem>>, vector<16xi32>,
          %eq3A_581 = vector.broadcast %reduce_max3A_551 : i32 to vector<16xi32>
          %eq3A_582 = arith.cmpi eq, %sub3A_542, %eq3A_581 : vector<16xi32>
          %convert_element_type3A_583 = arith.extui %eq3A_582 : vector<16xi1> to vector<16xi32>
          %swap3A_584 = arith.constant 0 : i32
          %swap3A_585 = arith.constant 0 : i32
          %swap3A_586 = tpu.memref_slice %run_scoped3A_11[%rem3A_350, %swap3A_584, %swap3A_585] : memref<2x16x64xi32, #tpu.memory_space<vmem>> -> memref<1x16x64xi32, #tpu.memory_space<vmem>>
          %swap3A_587 = tpu.memref_squeeze %swap3A_586 : memref<1x16x64xi32, #tpu.memory_space<vmem>> -> memref<16x64xi32, #tpu.memory_space<vmem>>
          %swap3A_588 = arith.index_cast %add3A_491 : i32 to index
          %swap3A_589 = arith.constant 48 : index
          %swap3A_590 = tpu.vector_load %swap3A_587[%swap3A_588, %swap3A_589] {strides = array<i32>} : memref<16x64xi32, #tpu.memory_space<vmem>>, vector<16xi32>,
          tpu.vector_store %swap3A_587[%swap3A_588, %swap3A_589], %convert_element_type3A_583 {strides = array<i32>} : memref<16x64xi32, #tpu.memory_space<vmem>>, vector<16xi32>,
        }
        %scan3A_365 = arith.constant 16 : i32
        "tpu.trace_stop"() : () -> ()
        %mul3A_366 = arith.constant 32 : i32
        %mul3A_367 = arith.muli %add3A_216, %mul3A_366 : i32
        %add3A_368 = arith.addi %mul3A_367, %add3A_218 : i32
        %add3A_369 = arith.constant 0 : i32
        %add3A_370 = arith.addi %add3A_368, %add3A_369 : i32
        %mul3A_371 = arith.constant 32 : i32
        %mul3A_372 = arith.muli %add3A_254, %mul3A_371 : i32
        %add3A_373 = arith.addi %mul3A_372, %add3A_256 : i32
        %add3A_374 = arith.constant 0 : i32
        %add3A_375 = arith.addi %add3A_373, %add3A_374 : i32
        %ne3A_376 = arith.cmpi ne, %add3A_370, %add3A_375 : i32
        %or3A_377 = arith.constant false
        %or3A_378 = arith.ori %or3A_377, %ne3A_376 : i1
        %or3A_379 = arith.constant false
        %or3A_380 = arith.ori %or3A_378, %or3A_379 : i1
        %or3A_381 = arith.ori %or3A_380, %eq3A_214 : i1
        %convert_element_type3A_382 = arith.extui %or3A_381 : i1 to i32
        %cond3A_383 = arith.constant 0 : i32
        %cond3A_384 = arith.cmpi ne, %convert_element_type3A_382, %cond3A_383 : i32
        scf.if %cond3A_384 {
        } else {
        }
        %and3A_385 = arith.constant false
        %and3A_386 = arith.andi %or3A_381, %and3A_385 : i1
        %mul3A_387 = arith.constant 32 : i32
        %mul3A_388 = arith.muli %add3A_216, %mul3A_387 : i32
        %add3A_389 = arith.addi %mul3A_388, %add3A_218 : i32
        %mul3A_390 = arith.constant 32 : i32
        %mul3A_391 = arith.muli %add3A_254, %mul3A_390 : i32
        %add3A_392 = arith.addi %mul3A_391, %add3A_256 : i32
        %ne3A_393 = arith.cmpi ne, %add3A_389, %add3A_392 : i32
        %or3A_394 = arith.constant false
        %or3A_395 = arith.ori %or3A_394, %ne3A_393 : i1
        %or3A_396 = arith.constant false
        %or3A_397 = arith.ori %or3A_395, %or3A_396 : i1
        %or3A_398 = arith.ori %or3A_397, %eq3A_214 : i1
        %convert_element_type3A_399 = arith.extui %or3A_398 : i1 to i32
        %cond3A_400 = arith.constant 0 : i32
        %cond3A_401 = arith.cmpi ne, %convert_element_type3A_399, %cond3A_400 : i32
        scf.if %cond3A_401 {
          "tpu.trace_start"() <{level = 10 : i32, message = "ep_copy_out"}> : () -> ()
          %rem3A_487 = arith.constant 2 : i32
          %rem3A_488 = arith.remui %scan3A_207, %rem3A_487 : i32
          %mul3A_489 = arith.constant 32 : i32
          %mul3A_490 = arith.muli %add3A_216, %mul3A_489 : i32
          %add3A_491 = arith.addi %mul3A_490, %add3A_218 : i32
          %mul3A_492 = arith.constant 16 : i32
          %mul3A_493 = arith.muli %mul3A_492, %add3A_491 : i32
          %dma_start3A_494 = arith.constant 0 : i32
          %dma_start3A_495 = arith.constant 0 : i32
          %dma_start3A_496 = tpu.memref_slice %run_scoped3A_11[%rem3A_488, %dma_start3A_494, %dma_start3A_495] : memref<2x16x64xi32, #tpu.memory_space<vmem>> -> memref<1x16x64xi32, #tpu.memory_space<vmem>>
          %dma_start3A_497 = tpu.memref_squeeze %dma_start3A_496 : memref<1x16x64xi32, #tpu.memory_space<vmem>> -> memref<16x64xi32, #tpu.memory_space<vmem>>
          %dma_start3A_498 = arith.constant 0 : i32
          %dma_start3A_499 = tpu.memref_slice %arg5[%mul3A_493, %dma_start3A_498] : memref<16384x64xi32, #tpu.memory_space<hbm>> -> memref<16x64xi32, #tpu.memory_space<hbm>>
          %dma_start3A_500 = tpu.memref_slice %run_scoped3A_12[%rem3A_488] : memref<2x!tpu.dma_semaphore, #tpu.memory_space<semaphore_mem>> -> memref<1x!tpu.dma_semaphore, #tpu.memory_space<semaphore_mem>>
          %dma_start3A_501 = tpu.memref_squeeze %dma_start3A_500 : memref<1x!tpu.dma_semaphore, #tpu.memory_space<semaphore_mem>> -> memref<!tpu.dma_semaphore, #tpu.memory_space<semaphore_mem>>
          %dma_start3A_502 = arith.constant 0 : i32
          %dma_start3A_503 = tpu.memref_slice %arg5[%mul3A_493, %dma_start3A_502] : memref<16384x64xi32, #tpu.memory_space<hbm>> -> memref<16x64xi32, #tpu.memory_space<hbm>>
          %dma_start3A_504 = arith.constant 0 : i32
          %dma_start3A_505 = arith.constant 0 : i32
          %dma_start3A_506 = tpu.memref_slice %run_scoped3A_11[%rem3A_488, %dma_start3A_504, %dma_start3A_505] : memref<2x16x64xi32, #tpu.memory_space<vmem>> -> memref<1x16x64xi32, #tpu.memory_space<vmem>>
          %dma_start3A_507 = tpu.memref_squeeze %dma_start3A_506 : memref<1x16x64xi32, #tpu.memory_space<vmem>> -> memref<16x64xi32, #tpu.memory_space<vmem>>
          tpu.enqueue_dma source(%dma_start3A_507 : memref<16x64xi32, #tpu.memory_space<vmem>>) target(%dma_start3A_503 : memref<16x64xi32, #tpu.memory_space<hbm>>) target_semaphore(%dma_start3A_501 : memref<!tpu.dma_semaphore, #tpu.memory_space<semaphore_mem>>)
          "tpu.trace_stop"() : () -> ()
        } else {
        }
        %and3A_402 = arith.constant true
        %and3A_403 = arith.andi %or3A_398, %and3A_402 : i1
        %add3A_404 = arith.constant 1 : i32
        %add3A_405 = arith.addi %scan3A_207, %add3A_404 : i32
        %select_n3A_406 = arith.select %and3A_403, %add3A_405, %scan3A_207 : i32
        %mul3A_407 = arith.constant 32 : i32
        %mul3A_408 = arith.muli %add3A_216, %mul3A_407 : i32
        %add3A_409 = arith.addi %mul3A_408, %add3A_218 : i32
        %add3A_410 = arith.constant 0 : i32
        %add3A_411 = arith.addi %add3A_409, %add3A_410 : i32
        %mul3A_412 = arith.constant 32 : i32
        %mul3A_413 = arith.muli %add3A_235, %mul3A_412 : i32
        %add3A_414 = arith.addi %mul3A_413, %add3A_237 : i32
        %add3A_415 = arith.constant 0 : i32
        %add3A_416 = arith.addi %add3A_414, %add3A_415 : i32
        %ne3A_417 = arith.cmpi ne, %add3A_411, %add3A_416 : i32
        %or3A_418 = arith.constant false
        %or3A_419 = arith.ori %or3A_418, %ne3A_417 : i1
        %or3A_420 = arith.constant false
        %or3A_421 = arith.ori %or3A_419, %or3A_420 : i1
        %not3A_422 = arith.constant true
        %not3A_423 = arith.xori %eq3A_212, %not3A_422 : i1
        %and3A_424 = arith.andi %or3A_421, %not3A_423 : i1
        %convert_element_type3A_425 = arith.extui %and3A_424 : i1 to i32
        %cond3A_426 = arith.constant 0 : i32
        %cond3A_427 = arith.cmpi ne, %convert_element_type3A_425, %cond3A_426 : i32
        scf.if %cond3A_427 {
        } else {
        }
        %and3A_428 = arith.constant false
        %and3A_429 = arith.andi %and3A_424, %and3A_428 : i1
        %mul3A_430 = arith.constant 32 : i32
        %mul3A_431 = arith.muli %add3A_216, %mul3A_430 : i32
        %add3A_432 = arith.addi %mul3A_431, %add3A_218 : i32
        %mul3A_433 = arith.constant 32 : i32
        %mul3A_434 = arith.muli %add3A_235, %mul3A_433 : i32
        %add3A_435 = arith.addi %mul3A_434, %add3A_237 : i32
        %ne3A_436 = arith.cmpi ne, %add3A_432, %add3A_435 : i32
        %or3A_437 = arith.constant false
        %or3A_438 = arith.ori %or3A_437, %ne3A_436 : i1
        %or3A_439 = arith.constant false
        %or3A_440 = arith.ori %or3A_438, %or3A_439 : i1
        %not3A_441 = arith.constant true
        %not3A_442 = arith.xori %eq3A_212, %not3A_441 : i1
        %and3A_443 = arith.andi %or3A_440, %not3A_442 : i1
        %convert_element_type3A_444 = arith.extui %and3A_443 : i1 to i32
        %cond3A_445 = arith.constant 0 : i32
        %cond3A_446 = arith.cmpi ne, %convert_element_type3A_444, %cond3A_445 : i32
        scf.if %cond3A_446 {
          "tpu.trace_start"() <{level = 10 : i32, message = "ep_wait_out"}> : () -> ()
          %rem3A_487 = arith.constant 2 : i32
          %rem3A_488 = arith.remui %scan3A_208, %rem3A_487 : i32
          %mul3A_489 = arith.constant 32 : i32
          %mul3A_490 = arith.muli %add3A_235, %mul3A_489 : i32
          %add3A_491 = arith.addi %mul3A_490, %add3A_237 : i32
          %mul3A_492 = arith.constant 16 : i32
          %mul3A_493 = arith.muli %mul3A_492, %add3A_491 : i32
          %dma_wait3A_494 = arith.constant 0 : i32
          %dma_wait3A_495 = arith.constant 0 : i32
          %dma_wait3A_496 = tpu.memref_slice %run_scoped3A_11[%rem3A_488, %dma_wait3A_494, %dma_wait3A_495] : memref<2x16x64xi32, #tpu.memory_space<vmem>> -> memref<1x16x64xi32, #tpu.memory_space<vmem>>
          %dma_wait3A_497 = tpu.memref_squeeze %dma_wait3A_496 : memref<1x16x64xi32, #tpu.memory_space<vmem>> -> memref<16x64xi32, #tpu.memory_space<vmem>>
          %dma_wait3A_498 = arith.constant 0 : i32
          %dma_wait3A_499 = tpu.memref_slice %arg5[%mul3A_493, %dma_wait3A_498] : memref<16384x64xi32, #tpu.memory_space<hbm>> -> memref<16x64xi32, #tpu.memory_space<hbm>>
          %dma_wait3A_500 = tpu.memref_slice %run_scoped3A_12[%rem3A_488] : memref<2x!tpu.dma_semaphore, #tpu.memory_space<semaphore_mem>> -> memref<1x!tpu.dma_semaphore, #tpu.memory_space<semaphore_mem>>
          %dma_wait3A_501 = tpu.memref_squeeze %dma_wait3A_500 : memref<1x!tpu.dma_semaphore, #tpu.memory_space<semaphore_mem>> -> memref<!tpu.dma_semaphore, #tpu.memory_space<semaphore_mem>>
          %dma_wait3A_502 = arith.constant 0 : i32
          %dma_wait3A_503 = tpu.memref_slice %arg5[%mul3A_493, %dma_wait3A_502] : memref<16384x64xi32, #tpu.memory_space<hbm>> -> memref<16x64xi32, #tpu.memory_space<hbm>>
          %dma_wait3A_504 = arith.constant 0 : i32
          %dma_wait3A_505 = arith.constant 0 : i32
          %dma_wait3A_506 = tpu.memref_slice %run_scoped3A_11[%rem3A_488, %dma_wait3A_504, %dma_wait3A_505] : memref<2x16x64xi32, #tpu.memory_space<vmem>> -> memref<1x16x64xi32, #tpu.memory_space<vmem>>
          %dma_wait3A_507 = tpu.memref_squeeze %dma_wait3A_506 : memref<1x16x64xi32, #tpu.memory_space<vmem>> -> memref<16x64xi32, #tpu.memory_space<vmem>>
          tpu.wait_dma2 semaphore(%dma_wait3A_501 : memref<!tpu.dma_semaphore, #tpu.memory_space<semaphore_mem>>) src(%dma_wait3A_507 : memref<16x64xi32, #tpu.memory_space<vmem>>) dst(%dma_wait3A_503 : memref<16x64xi32, #tpu.memory_space<hbm>>)
          "tpu.trace_stop"() : () -> ()
        } else {
        }
        %and3A_447 = arith.constant true
        %and3A_448 = arith.andi %and3A_443, %and3A_447 : i1
        %add3A_449 = arith.constant 1 : i32
        %add3A_450 = arith.addi %scan3A_208, %add3A_449 : i32
        %select_n3A_451 = arith.select %and3A_448, %add3A_450, %scan3A_208 : i32
        %mul3A_452 = arith.constant 32 : i32
        %mul3A_453 = arith.muli %add3A_216, %mul3A_452 : i32
        %add3A_454 = arith.addi %mul3A_453, %add3A_218 : i32
        %add3A_455 = arith.constant 0 : i32
        %add3A_456 = arith.addi %add3A_454, %add3A_455 : i32
        %mul3A_457 = arith.constant 32 : i32
        %mul3A_458 = arith.muli %add3A_254, %mul3A_457 : i32
        %add3A_459 = arith.addi %mul3A_458, %add3A_256 : i32
        %add3A_460 = arith.constant 0 : i32
        %add3A_461 = arith.addi %add3A_459, %add3A_460 : i32
        %ne3A_462 = arith.cmpi ne, %add3A_456, %add3A_461 : i32
        %or3A_463 = arith.constant false
        %or3A_464 = arith.ori %or3A_463, %ne3A_462 : i1
        %or3A_465 = arith.constant false
        %or3A_466 = arith.ori %or3A_464, %or3A_465 : i1
        %or3A_467 = arith.ori %or3A_466, %eq3A_214 : i1
        %add3A_468 = arith.constant 1 : i32
        %add3A_469 = arith.addi %scan3A_206, %add3A_468 : i32
        %select_n3A_470 = arith.select %or3A_467, %add3A_469, %scan3A_206 : i32
        %add3A_471 = arith.constant 1 : i32
        %add3A_472 = arith.addi %scan3A_210, %add3A_471 : i32
        %select_n3A_473 = arith.constant true
        %select_n3A_474 = arith.select %select_n3A_473, %add3A_472, %scan3A_210 : i32
        %eq3A_475 = arith.constant 32 : i32
        %eq3A_476 = arith.cmpi eq, %select_n3A_474, %eq3A_475 : i32
        %select_n3A_477 = arith.constant 0 : i32
        %select_n3A_478 = arith.select %eq3A_476, %select_n3A_477, %select_n3A_474 : i32
        %select_n3A_479 = arith.constant 0 : i32
        %select_n3A_480 = arith.constant 1 : i32
        %select_n3A_481 = arith.select %eq3A_476, %select_n3A_480, %select_n3A_479 : i32
        %eq3A_482 = arith.constant 1 : i32
        %eq3A_483 = arith.cmpi eq, %select_n3A_481, %eq3A_482 : i32
        %select_n3A_484 = arith.constant 0 : i32
        %select_n3A_485 = arith.select %eq3A_483, %select_n3A_484, %select_n3A_481 : i32
        %scan3A_486 = arith.constant 0 : i32
        scf.yield %select_n3A_296, %select_n3A_470, %select_n3A_406, %select_n3A_451, %scan3A_486, %select_n3A_478 : i32, i32, i32, i32, i32, i32
      }
      %scan3A_108 = arith.constant 32 : i32
      %sub3A = arith.constant 1 : i32
      %sub3A_109 = arith.subi %scan3A_107#5, %sub3A : i32
      %select_n3A_110 = arith.constant true
      %select_n3A_111 = arith.select %select_n3A_110, %sub3A_109, %scan3A_107#5 : i32
      %eq3A_112 = arith.constant -1 : i32
      %eq3A_113 = arith.cmpi eq, %select_n3A_111, %eq3A_112 : i32
      %select_n3A_114 = arith.constant 31 : i32
      %select_n3A_115 = arith.select %eq3A_113, %select_n3A_114, %select_n3A_111 : i32
      %sub3A_116 = arith.constant 1 : i32
      %sub3A_117 = arith.subi %scan3A_107#4, %sub3A_116 : i32
      %select_n3A_118 = arith.select %eq3A_113, %sub3A_117, %scan3A_107#4 : i32
      %eq3A_119 = arith.constant -1 : i32
      %eq3A_120 = arith.cmpi eq, %select_n3A_118, %eq3A_119 : i32
      %select_n3A_121 = arith.constant 0 : i32
      %select_n3A_122 = arith.select %eq3A_120, %select_n3A_121, %select_n3A_118 : i32
      %add3A_123 = arith.constant 0 : i32
      %add3A_124 = arith.addi %add3A_123, %mul3A_9 : i32
      %add3A_125 = arith.constant 0 : i32
      %add3A_126 = arith.addi %select_n3A_115, %add3A_125 : i32
      %sub3A_127 = arith.constant 1 : i32
      %sub3A_128 = arith.subi %select_n3A_115, %sub3A_127 : i32
      %select_n3A_129 = arith.constant true
      %select_n3A_130 = arith.select %select_n3A_129, %sub3A_128, %select_n3A_115 : i32
      %eq3A_131 = arith.constant -1 : i32
      %eq3A_132 = arith.cmpi eq, %select_n3A_130, %eq3A_131 : i32
      %select_n3A_133 = arith.constant 31 : i32
      %select_n3A_134 = arith.select %eq3A_132, %select_n3A_133, %select_n3A_130 : i32
      %select_n3A_135 = arith.constant 0 : i32
      %select_n3A_136 = arith.constant -1 : i32
      %select_n3A_137 = arith.select %eq3A_132, %select_n3A_136, %select_n3A_135 : i32
      %eq3A_138 = arith.constant -1 : i32
      %eq3A_139 = arith.cmpi eq, %select_n3A_137, %eq3A_138 : i32
      %select_n3A_140 = arith.constant 0 : i32
      %select_n3A_141 = arith.select %eq3A_139, %select_n3A_140, %select_n3A_137 : i32
      %add3A_142 = arith.constant 0 : i32
      %add3A_143 = arith.addi %add3A_142, %mul3A_9 : i32
      %add3A_144 = arith.constant 0 : i32
      %add3A_145 = arith.addi %select_n3A_134, %add3A_144 : i32
      %add3A_146 = arith.constant 1 : i32
      %add3A_147 = arith.addi %select_n3A_115, %add3A_146 : i32
      %select_n3A_148 = arith.constant true
      %select_n3A_149 = arith.select %select_n3A_148, %add3A_147, %select_n3A_115 : i32
      %eq3A_150 = arith.constant 32 : i32
      %eq3A_151 = arith.cmpi eq, %select_n3A_149, %eq3A_150 : i32
      %select_n3A_152 = arith.constant 0 : i32
      %select_n3A_153 = arith.select %eq3A_151, %select_n3A_152, %select_n3A_149 : i32
      %select_n3A_154 = arith.constant 0 : i32
      %select_n3A_155 = arith.constant 1 : i32
      %select_n3A_156 = arith.select %eq3A_151, %select_n3A_155, %select_n3A_154 : i32
      %eq3A_157 = arith.constant 1 : i32
      %eq3A_158 = arith.cmpi eq, %select_n3A_156, %eq3A_157 : i32
      %select_n3A_159 = arith.constant 0 : i32
      %select_n3A_160 = arith.select %eq3A_158, %select_n3A_159, %select_n3A_156 : i32
      %add3A_161 = arith.constant 0 : i32
      %add3A_162 = arith.addi %add3A_161, %mul3A_9 : i32
      %add3A_163 = arith.constant 0 : i32
      %add3A_164 = arith.addi %select_n3A_153, %add3A_163 : i32
      %add3A_165 = arith.constant 1 : i32
      %add3A_166 = arith.addi %select_n3A_153, %add3A_165 : i32
      %select_n3A_167 = arith.constant true
      %select_n3A_168 = arith.select %select_n3A_167, %add3A_166, %select_n3A_153 : i32
      %eq3A_169 = arith.constant 32 : i32
      %eq3A_170 = arith.cmpi eq, %select_n3A_168, %eq3A_169 : i32
      %select_n3A_171 = arith.constant 0 : i32
      %select_n3A_172 = arith.select %eq3A_170, %select_n3A_171, %select_n3A_168 : i32
      %select_n3A_173 = arith.constant 0 : i32
      %select_n3A_174 = arith.constant 1 : i32
      %select_n3A_175 = arith.select %eq3A_170, %select_n3A_174, %select_n3A_173 : i32
      %eq3A_176 = arith.constant 1 : i32
      %eq3A_177 = arith.cmpi eq, %select_n3A_175, %eq3A_176 : i32
      %select_n3A_178 = arith.constant 0 : i32
      %select_n3A_179 = arith.select %eq3A_177, %select_n3A_178, %select_n3A_175 : i32
      %add3A_180 = arith.constant 0 : i32
      %add3A_181 = arith.addi %add3A_180, %mul3A_9 : i32
      %add3A_182 = arith.constant 0 : i32
      %add3A_183 = arith.addi %select_n3A_172, %add3A_182 : i32
      "tpu.trace_start"() <{level = 10 : i32, message = "ep_finalize"}> : () -> ()
      %rem3A_184 = arith.constant 2 : i32
      %rem3A_185 = arith.remui %scan3A_107#3, %rem3A_184 : i32
      %mul3A_186 = arith.constant 32 : i32
      %mul3A_187 = arith.muli %add3A_124, %mul3A_186 : i32
      %add3A_188 = arith.addi %mul3A_187, %add3A_126 : i32
      %mul3A_189 = arith.constant 16 : i32
      %mul3A_190 = arith.muli %mul3A_189, %add3A_188 : i32
      %dma_wait3A = arith.constant 0 : i32
      %dma_wait3A_191 = arith.constant 0 : i32
      %dma_wait3A_192 = tpu.memref_slice %run_scoped3A_11[%rem3A_185, %dma_wait3A, %dma_wait3A_191] : memref<2x16x64xi32, #tpu.memory_space<vmem>> -> memref<1x16x64xi32, #tpu.memory_space<vmem>>
      %dma_wait3A_193 = tpu.memref_squeeze %dma_wait3A_192 : memref<1x16x64xi32, #tpu.memory_space<vmem>> -> memref<16x64xi32, #tpu.memory_space<vmem>>
      %dma_wait3A_194 = arith.constant 0 : i32
      %dma_wait3A_195 = tpu.memref_slice %arg5[%mul3A_190, %dma_wait3A_194] : memref<16384x64xi32, #tpu.memory_space<hbm>> -> memref<16x64xi32, #tpu.memory_space<hbm>>
      %dma_wait3A_196 = tpu.memref_slice %run_scoped3A_12[%rem3A_185] : memref<2x!tpu.dma_semaphore, #tpu.memory_space<semaphore_mem>> -> memref<1x!tpu.dma_semaphore, #tpu.memory_space<semaphore_mem>>
      %dma_wait3A_197 = tpu.memref_squeeze %dma_wait3A_196 : memref<1x!tpu.dma_semaphore, #tpu.memory_space<semaphore_mem>> -> memref<!tpu.dma_semaphore, #tpu.memory_space<semaphore_mem>>
      %dma_wait3A_198 = arith.constant 0 : i32
      %dma_wait3A_199 = tpu.memref_slice %arg5[%mul3A_190, %dma_wait3A_198] : memref<16384x64xi32, #tpu.memory_space<hbm>> -> memref<16x64xi32, #tpu.memory_space<hbm>>
      %dma_wait3A_200 = arith.constant 0 : i32
      %dma_wait3A_201 = arith.constant 0 : i32
      %dma_wait3A_202 = tpu.memref_slice %run_scoped3A_11[%rem3A_185, %dma_wait3A_200, %dma_wait3A_201] : memref<2x16x64xi32, #tpu.memory_space<vmem>> -> memref<1x16x64xi32, #tpu.memory_space<vmem>>
      %dma_wait3A_203 = tpu.memref_squeeze %dma_wait3A_202 : memref<1x16x64xi32, #tpu.memory_space<vmem>> -> memref<16x64xi32, #tpu.memory_space<vmem>>
      tpu.wait_dma2 semaphore(%dma_wait3A_197 : memref<!tpu.dma_semaphore, #tpu.memory_space<semaphore_mem>>) src(%dma_wait3A_203 : memref<16x64xi32, #tpu.memory_space<vmem>>) dst(%dma_wait3A_199 : memref<16x64xi32, #tpu.memory_space<hbm>>)
      "tpu.trace_stop"() : () -> ()
      tpu.yield
    }) : () -> ()
    return
  }
}

</mosaic_0001>

<sc_bundles>
// kernel: kernel.3.cloned.1.call-start
scs
__scs_entry_jumppad:
0x0: {  	(pc) =	sbr.rel $0x88, $3  }
0x1: {  	(tag) =	ssettag $0x0;
	lr =	simm.s32 $0x1  }
0x2: {  	[smem:$0x3F9F] =	sst lr;
	_ =	strace $0xD0000000  }
0x3: {  	_ = 	snop  }
0x4: {  	_ = 	snop  }
0x5: {  	_ = 	snop  }
0x6: {  	_ = 	snop  }
0x7: {  	_ = 	snop  }
__scs_overlays_trampoline_lowered:
0x8: {  	[smem:$0x3FAE] =	sst s0  }
0x9: {  	[smem:$0x3FAF] =	sst s1  }
0xa: {  	[smem:$0x3FB0] =	sst s2  }
0xb: {  	[smem:$0x3FB1] =	sst s3  }
0xc: {  	[smem:$0x3FB2] =	sst s4  }
0xd: {  	[smem:$0x3FB3] =	sst s5  }
0xe: {  	[smem:$0x3FB4] =	sst s6  }
0xf: {  	[smem:$0x3FB5] =	sst s7  }
0x10: {  	[smem:$0x3FB6] =	sst s8  }
0x11: {  	[smem:$0x3FB7] =	sst s9;
	s0 =	simm.s32 @!p0 $0x0  }
0x12: {  	s1 =	sld [smem:$0x3F9D];
	s0 =	simm.s32 @p0 $0x1  }
0x13: {  	[smem:$0x3FB8] =	sst s0;
	s0 =	simm.s32 @!p1 $0x0  }
0x14: {  	s2 =	sld [smem:$0x3F9C];
	s0 =	simm.s32 @p1 $0x1  }
0x15: {  	[smem:$0x3FB9] =	sst s0;
	s0 =	simm.s32 @!p2 $0x0  }
0x16: {  	s3 =	sld [smem:$0x3FDB];
	s0 =	simm.s32 @p2 $0x1  }
0x17: {  	s4 =	simm.s32 $0x1BF5;
	[smem:$0x3FBB] =	sst s0  }
0x18: {  	s0 =	sld [smem:$0x3F9E];
	_ =	swait.ge [sflag:s4], $0x0  }
0x19: {  	s7 =	sld [smem:$0x3F9F]  }
0x1a: {  	s8 =	sadd.s32 $0xFFFFE003, lr  }
0x1b: {  	s9 =	sadd.s32 $0xFFFFFEF7, lr;
	s5 =	simm.s32 $0xFFFFFFFF;
	p2 =	slt.u32 s8, $0xFFFFF086  }
0x1c: {  	p1 =	slt.u32 s9, $0xF7A;
	s5 =	simm.s32 @!p2 $0x0  }
0x1d: {  	s5 =	simm.s32 @p1 $0x1;
	p0 =	seq.s32 s7, s2  }
0x1e: {  	s7 =	smul.u32 @!p0 $0xF7A, s2;
	p2 =	seq.s32 @!p0 s5, $0x0  }
0x1f: {  	s9 =	smul.u32 $0xF7A, s1;
	s8 =	simm.s32 @!p0 $0x1BF5;
	p2 =	por !p2, p0  }
0x20: {  	[sflag:s8] =	ssyncset.s32 @!p0 $0xFFFFF086;
	s6 =	sadd.s32 @!p0 s3, s7;
	s7 =	simm.s32 @!p0 $0x108  }
0x21: {  	s3 =	sadd.s32 s3, s9;
	s6 =	sadd.s32 @!p0 $0x88, s6;
	s7 =	simm.s32 @p2 $0x1082  }
0x22: {  	[simem:s7], [sflag:s8] =	dma.local @!p0 [hbm:s6], $0xF7A  }
0x23: {  	s9 =	sor.u32 $0xD0000000, s2;
	s6 =	simm.s32 $0x108;
	_ =	swait.ge @!p0 [sflag:s8], $0x0  }
0x24: {  	s3 =	sadd.s32 $0x88, s3;
	s6 =	simm.s32 @!p1 $0x1082;
	[sflag:s4] =	ssyncset.s32 $0xFFFFF086  }
0x25: {  	[simem:s6], [sflag:s4] =	dma.local [hbm:s3], $0xF7A  }
0x26: {  	[smem:$0x3F9F] =	sst s1;
	(tag) =	ssettag s2;
	_ =	strace s9  }
0x27: {  	s1 =	sld [smem:$0x3FAF]  }
0x28: {  	s2 =	sld [smem:$0x3FB0]  }
0x29: {  	s4 =	sld [smem:$0x3FB2]  }
0x2a: {  	p0 =	seq.s32 s5, $0x0;
	s5 =	sld [smem:$0x3FB3]  }
0x2b: {  	s6 =	sld [smem:$0x3FB4]  }
0x2c: {  	s7 =	sld [smem:$0x3FB5]  }
0x2d: {  	s3 =	simm.s32 $0x108;
	s8 =	sld [smem:$0x3FB6]  }
0x2e: {  	s3 =	simm.s32 @!p0 $0x1082;
	s9 =	sld [smem:$0x3FB7]  }
0x2f: {  	lr =	sadd.s32 s0, s3;
	s0 =	sld [smem:$0x3FAE]  }
0x30: {  	s3 =	sld [smem:$0x3FB1]  }
0x31: {  	[smem:$0x3FBA] =	sst s10  }
0x32: {  	s10 =	sld [smem:$0x3FB8];
	_ =	sdelay $0x3  }
0x33: {  	p0 =	seq.s32 s10, $0x1;
	s10 =	sld [smem:$0x3FBA];
	_ =	sdelay $0x3  }
0x34: {  	[smem:$0x3FBA] =	sst s10  }
0x35: {  	s10 =	sld [smem:$0x3FB9];
	_ =	sdelay $0x3  }
0x36: {  	p1 =	seq.s32 s10, $0x1;
	s10 =	sld [smem:$0x3FBA];
	_ =	sdelay $0x3  }
0x37: {  	[smem:$0x3FBA] =	sst s10  }
0x38: {  	s10 =	sld [smem:$0x3FBB]  }
0x39: {  	_ = 	snop;
	(pc) =	sbr.ind lr, $3  }
0x3a: {  	_ = 	snop  }
0x3b: {  	_ = 	snop  }
0x3c: {  	p2 =	seq.s32 s10, $0x1;
	s10 =	sld [smem:$0x3FBA]  }
0x3d: {  	_ =	shalt  }
0x3e: {  	_ =	shalt  }
0x3f: {  	_ =	shalt  }
0x40: {  	_ =	shalt  }
0x41: {  	_ =	shalt  }
0x42: {  	_ =	shalt  }
0x43: {  	_ =	shalt  }
0x44: {  	_ =	shalt  }
0x45: {  	_ =	shalt  }
0x46: {  	_ =	shalt  }
0x47: {  	_ =	shalt  }
0x48: {  	_ =	shalt  }
0x49: {  	_ =	shalt  }
0x4a: {  	_ =	shalt  }
0x4b: {  	_ =	shalt  }
0x4c: {  	_ =	shalt  }
0x4d: {  	_ =	shalt  }
0x4e: {  	_ =	shalt  }
0x4f: {  	_ =	shalt  }
0x50: {  	_ =	shalt  }
0x51: {  	_ =	shalt  }
0x52: {  	_ =	shalt  }
0x53: {  	_ =	shalt  }
0x54: {  	_ =	shalt  }
0x55: {  	_ =	shalt  }
0x56: {  	_ =	shalt  }
0x57: {  	_ =	shalt  }
0x58: {  	_ =	shalt  }
0x59: {  	_ =	shalt  }
0x5a: {  	_ =	shalt  }
0x5b: {  	_ =	shalt  }
0x5c: {  	_ =	shalt  }
0x5d: {  	_ =	shalt  }
0x5e: {  	_ =	shalt  }
0x5f: {  	_ =	shalt  }
0x60: {  	_ =	shalt  }
0x61: {  	_ =	shalt  }
0x62: {  	_ =	shalt  }
0x63: {  	_ =	shalt  }
0x64: {  	_ =	shalt  }
0x65: {  	_ =	shalt  }
0x66: {  	_ =	shalt  }
0x67: {  	_ =	shalt  }
0x68: {  	_ =	shalt  }
0x69: {  	_ =	shalt  }
0x6a: {  	_ =	shalt  }
0x6b: {  	_ =	shalt  }
0x6c: {  	_ =	shalt  }
0x6d: {  	_ =	shalt  }
0x6e: {  	_ =	shalt  }
0x6f: {  	_ =	shalt  }
0x70: {  	_ =	shalt  }
0x71: {  	_ =	shalt  }
0x72: {  	_ =	shalt  }
0x73: {  	_ =	shalt  }
0x74: {  	_ =	shalt  }
0x75: {  	_ =	shalt  }
0x76: {  	_ =	shalt  }
0x77: {  	_ =	shalt  }
0x78: {  	_ =	shalt  }
0x79: {  	_ =	shalt  }
0x7a: {  	_ =	shalt  }
0x7b: {  	_ =	shalt  }
0x7c: {  	_ =	shalt  }
0x7d: {  	_ =	shalt  }
0x7e: {  	_ =	shalt  }
0x7f: {  	_ =	shalt  }
0x80: {  	_ =	shalt  }
0x81: {  	_ =	shalt  }
0x82: {  	_ =	shalt  }
0x83: {  	_ =	shalt  }
0x84: {  	_ =	shalt  }
0x85: {  	_ =	shalt  }
0x86: {  	_ =	shalt  }
0x87: {  	_ =	shalt  }
.Lfunc_end0:
.L_simem_size_0:
called_computation_lowered:
.L_overlay_start_0:
0x88: {  	s2 =	sld [smem:$0x3FD9]  }
0x89: {  	s3 =	sld [smem:$0x3FFE];
	_ =	sdelay $0x1  }
0x8a: {  	s1 =	srdreg.scid  }
0x8b: {  	s0 =	sand.u32 $0x1, s1  }
0x8c: {  	s17 =	sshll.u32 s0, $0xA;
	s2 =	sadd.s32 s3, s2  }
0x8d: {  	s2 =	sadd.s32 s2, s17  }
0x8e: {  	[smem:$0x3FC6] =	sst s2  }
0x8f: {  	_ = 	snop  }
0x90: {  	s2 =	sld [smem:$0x3FD0];
	(tm) =	ssettm $0x1  }
0x91: {  	s18 =	sld [smem:$0x3FFB];
	_ =	sdelay $0x3  }
0x92: {  	_ =	strace s18  }
0x93: {  	s3 =	sld [smem:$0x3FFC];
	_ =	sdelay $0x3  }
0x94: {  	_ =	strace s3  }
0x95: {  	s3 =	sld [smem:$0x3FFD];
	_ =	sdelay $0x3  }
0x96: {  	_ =	strace s3  }
0x97: {  	_ =	strace $0x8FFFFFFF  }
0x98: {  	s19 =	sld [smem:$0x3FDB];
	_ =	sdelay $0x1  }
0x99: {  	s4 =	simm.s32 $_scs_section_size  }
0x9a: {  	s5 =	simm.s32 $_size__tile_overlayer_lowered;
	s6 =	simm.s32 $_tile_overlayer_lowered  }
0x9b: {  	s22 =	simm.s32 $0x1BFF;
	s21 =	sshll.u32 s6, $0x1;
	s3 =	sadd.s32 s4, s19  }
0x9c: {  	s7 =	simm.s32 $0x0;
	s20 =	sshll.u32 s5, $0x1;
	s5 =	sadd.s32 s21, s3  }
0x9d: {  	[timem:s7], [sflag:s22] =	dma.local [hbm:s5], s20  }
0x9e: {  	_ =	swait.ge [sflag:s22], s20  }
0x9f: {  	s4 =	ssub.s32 $0x0, s20;
	[sflag:s22] =	ssyncset.done $0x0  }
0xa0: {  	[sflag:s22] =	ssyncadd.s32 s4;
	_ =	sdelay $0x1  }
0xa1: {  	s23 =	simm.s32 $0x1B8B  }
0xa2: {  	_ =	swait.ge [sflag:s23], $0x1  }
0xa3: {  	[sflag:s23] =	ssyncset.done $0x0  }
0xa4: {  	s25 =	simm.s32 $0x1B8E;
	s24 =	sld [smem:$0x3FFE];
	[sflag:s23] =	ssyncadd.s32 $0xFFFFFFFF  }
0xa5: {  	s26 =	simm.s32 $execute0_lowered;
	[smem:$0x3FD2] =	sst s25  }
0xa6: {  	s5 =	sshll.u32 s26, $0x1;
	_ =	strace $0x80000046;
	[dreg:$0x1] =	wrdreg $0xFFFFFFFF  }
0xa7: {  	s28 =	simm.s32 $_size_execute0_lowered;
	s3 =	sadd.s32 s3, s5;
	[dreg:$0x0] =	wrdreg $0x0  }
0xa8: {  	s5 =	sshll.u32 s28, $0x1;
	[dreg:$0x2] =	wrdreg s3  }
0xa9: {  	[dreg:$0x3] =	wrdreg s5  }
0xaa: {  	[dreg:$0x4] =	wrdreg $0xC0  }
0xab: {  	_ =	task [dreg:s7], $0x5FFFF  }
0xac: {  	[dreg:$0x1] =	wrdreg $0xFFFFFFFF  }
0xad: {  	[dreg:$0x0] =	wrdreg $0x60  }
0xae: {  	[dreg:$0x2] =	wrdreg s24  }
0xaf: {  	[dreg:$0x3] =	wrdreg s2  }
0xb0: {  	[dreg:$0x4] =	wrdreg $0x9  }
0xb1: {  	_ =	task.clear_ibuf [dreg:s7], $0x5FFFF;
	_ =	strace $0x90000046  }
0xb2: {  	s29 =	simm.s32 $0x9;
	_ =	strace $0x8000004F  }
0xb3: {  	_ =	swait.ge [sflag:s29], $0x1  }
0xb4: {  	[sflag:s29] =	ssyncadd.s32 $0xFFFFFFFF  }
0xb5: {  	_ =	strace $0x9000004F  }
0xb6: {  	_ =	sfence  }
0xb7: {  	s30 =	sld [smem:$0x0];
	_ =	sdelay $0x2  }
0xb8: {  	s31 =	sshll.u32 s1, $0xD;
	s1 =	sshrl.u32 s1, $0x2  }
0xb9: {  	s3 =	sand.u32 $0x4000, s31;
	s1 =	sadd.s32 s1, s30  }
0xba: {  	s0 =	sor.u32 s3, s0;
	s1 =	sshll.u32 s1, $0x11  }
0xbb: {  	s0 =	sor.u32 s1, s0  }
0xbc: {  	s0 =	sadd.s32 $0x8F2B, s0  }
0xbd: {  	[sflag:s0] =	ssyncadd.remote.s32 $0x1  }
0xbe: {  	_ =	sfence.sel $0xFFFF  }
0xbf: {  	[dreg:$0x0] =	wrdreg $0xFFFFFFFF;
	(pc) =	sbr.abs _section_cstart, $3  }
0xc0: {  	[dreg:$0x1] =	wrdreg $0xFFFFFFFF  }
0xc1: {  	_ =	task.clear_ibuf [dreg:s7], $0x2FFFF;
	_ =	strace $0x9FFFFFFF  }
0xc2: {  	(tm) =	ssettm $0x7FFFFFFF  }
0xc3: {  	_ =	shalt  }
tec
execute0_lowered:
.L_overlay_start_1:
0x0: {  	(tag) =	ssettag $0x1  }
0x1: {  	s6 =	rddreg [dreg:$0x0]  }
0x2: {  	s1 =	rddreg [dreg:$0x1]  }
0x3: {  	s2 =	simm.s32 $0x0;
	s3 =	srdreg.scid;
	s10 =	simm.s32 $0x800  }
0x4: {  	s11 =	simm.s32 $0x1400;
	s12 =	simm.s32 $0x1000;
	s13 =	simm.s32 $0x1  }
0x5: {  	s14 =	simm.s32 $0x5;
	s15 =	simm.s32 $0x0;
	[smem:$0x7FF] =	sst s2  }
0x6: {  	v0 =	vlaneseq.u32;
	s4 =	sadd.s32 $0x800, s6;
	s5 =	sand.u32 $0x1, s3;
	s3 =	stileid.u32  }
0x7: {  	v5 =	vmul.u32 $0xFFFFFFFF, v0;
	_ =	strace $0x80000047;
	s7 =	ssub.s32 $0x2, s5;
	s8 =	sshll.u32 s5, $0x4  }
0x8: {  	s5 =	sadd.s32 $0x600, s6;
	s9 =	sshrl.u32 s7, $0x1;
	s8 =	sor.u32 s3, s8  }
0x9: {  	v1 =	vimm.s32 $0x1;
	v0 =	vimm.s32 $0x0;
	s6 =	sadd.s32 $0x400800, s6;
	v2 =	vadd.s32 $0x3F, v5;
	s9 =	ssub.s32 s7, s9;
	s31 =	sshll.u32 s8, $0x11  }
0xa: {  	v3 =	vadd.s32 $0x2F, v5;
	v4 =	vadd.s32 $0x1F, v5;
	v5 =	vadd.s32 $0xF, v5;
	s8 =	sshll.u32 s8, $0x5;
	s7 =	sadd.s32 s4, s31;
	s9 =	smax.u32 s9, $0x1  }
.LBB2_1:
0xb: {  	[tilespmem:s2], [sflag:$0x1] =	stream.linear.gather [hbm4b:s5+s2], $0x800, $0x38;
	[tilespmem:$0x12400] =	vst v63  }
0xc: {  	_ =	swait.ge [sflag:s13], $0x800  }
0xd: {  	[sflag:s13] =	ssyncset.done $0x0  }
0xe: {  	[sflag:s13] =	ssyncadd.s32 $0xFFFFF800  }
0xf: {  	[tilespmem:s10], [sflag:$0x1] =	stream.linear.gather [hbm4b:s1+s2], $0x800, $0x38;
	[tilespmem:$0x12400] =	vst v63  }
0x10: {  	_ =	swait.ge [sflag:s13], $0x800  }
0x11: {  	[sflag:s13] =	ssyncset.done $0x0  }
0x12: {  	s16 =	simm.s32 $0x0;
	s17 =	simm.s32 $0x0;
	[sflag:s13] =	ssyncadd.s32 $0xFFFFF800  }
0x13: {  	s18 =	simm.s32 $0x0;
	s19 =	simm.s32 $0x0;
	_ =	strace $0x80000048  }
0x14: {  	[tilespmem:s11], [sflag:$0x2] =	stream.linear.gather [hbm4b:s7+s2], $0x8000, $0x200038;
	[tilespmem:$0x12400] =	vst v63  }
0x15: {  	s20 =	simm.s32 $0x1;
	s21 =	simm.s32 $0x0;
	_ =	strace $0x90000048  }
.LBB2_2:
0x16: {  	s22 =	smov.u32 s16;
	s16 =	sadd.s32 $0x1, s16  }
0x17: {  	p0 =	seq.s32 s16, $0x20  }
0x18: {  	s16 =	simm.s32 @p0 $0x0  }
0x19: {  	p6 =	sne.s32 s21, $0x1F;
	p1 =	sne.s32 s22, s16  }
0x1a: {  	p0 =	por !p6, !p1  }
0x1b: {  	p0 =	por !p0, !p0  }
0x1c: {  	s24 =	sadd.s32 @p0 s8, s16  }
0x1d: {  	s23 =	sand.u32 @p0 $0x1, s20;
	_ =	strace @p0 $0x80000049;
	s24 =	sshll.u32 @p0 s24, $0xC  }
0x1e: {  	s26 =	simm.s32 @p0 $0x0;
	s25 =	sshll.u32 @p0 s23, $0xF;
	s24 =	sand.u32 @p0 $0x1FFFF000, s24  }
0x1f: {  	s23 =	sor.u32 @p0 $0x2, s23;
	s25 =	sor.u32 @p0 $0x1400, s25;
	s24 =	sadd.s32 @p0 s4, s24  }
0x20: {  	[tilespmem:s25], [sflag:s23] =	stream.linear.gather @p0 [hbm4b:s24+s26], $0x8000, $0x200038;
	[tilespmem:$0x12400] =	vst v63  }
0x21: {  	s31 =	sand.u32 $0x1, s19;
	_ =	strace @p0 $0x90000049  }
0x22: {  	s23 =	sor.u32 $0x2, s31;
	_ =	strace $0x8000004A  }
0x23: {  	_ =	swait.ge [sflag:s23], $0x8000  }
0x24: {  	[sflag:s23] =	ssyncset.done $0x0  }
0x25: {  	[sflag:s23] =	ssyncadd.s32 $0xFFFF8000  }
0x26: {  	s22 =	sadd.s32 s8, s22;
	_ =	strace $0x9000004A  }
0x27: {  	s24 =	simm.s32 $0x0;
	s23 =	simm.s32 $0x40;
	_ =	strace $0x8000004B  }
.LBB2_3:
0x28: {  	p2 =	seq.s32 s23, $0xFC0;
	[tilespmem:s24+$0x1000] =	vst v0;
	s24 =	smov.u32 s23;
	s23 =	sadd.s32 $0x40, s23  }
.Ltmp0:
0x29: {  	(pc) =	sbr.rel @!p2 .LBB2_3-.Ltmp0, $2  }
0x2a: {  	_ =	sdelay $0x2  }
0x2b: {  	s24 =	sshra.s32 s24, $0x2  }
0x2c: {  	s23 =	sshll.u32 s19, $0xF  }
0x2d: {  	s23 =	sand.u32 $0x8000, s23  }
0x2e: {  	[tilespmem:s24+$0x1000] =	vst v0;
	s24 =	simm.s32 $0x0;
	s25 =	simm.s32 $0x0;
	s23 =	sor.u32 $0x1400, s23  }
.LBB2_5:
0x2f: {  	s28 =	sshll.u32 s25, $0x4  }
0x30: {  	s26 =	sand.u32 $0x70, s28  }
0x31: {  	s29 =	sshll.u32 s25, $0x7;
	v6 =	vmov s26  }
0x32: {  	s0 =	sand.u32 $0x3C00, s29  }
0x33: {  	s29 =	sand.u32 $0x4000, s24;
	s26 =	sadd.s32 s0, s23  }
0x34: {  	s30 =	sand.u32 $0x380, s24;
	s29 =	sadd.s32 s29, s26  }
0x35: {  	v7 =	vld [tilespmem:s28+$0x0];
	s29 =	sadd.s32 s30, s29  }
0x36: {  	v9 =	vld.idx.msk [tilespmem:v6+s29+$0x0 ss:$0x1], $0xffff  }
0x37: {  	v8 =	vld [tilespmem:s28+$0x800];
	_ =	sdelay $0x3  }
0x38: {  	vm0 =	vgt.f32 v9, $5.000000000e-01  }
0x39: {  	v9 =	vsel vm0, v8, v7  }
0x3a: {  	v9 =	vadd.s32 s24, v9  }
0x3b: {  	s28 =	simm.s32 $0x800  }
0x3c: {  	s31 =	sand.u32 $0x4000, s28  }
0x3d: {  	s28 =	simm.s32 $0x0;
	s30 =	simm.s32 $0x1000;
	s29 =	simm.s32 $0x80  }
.LBB2_6:
0x3e: {  	p2 =	sne.s32 s30, $0x7800;
	s0 =	sand.u32 $0x380, s29;
	s31 =	sadd.s32 s31, s26  }
0x3f: {  	s0 =	sadd.s32 s0, s31;
	[tilespmem:v9+s12+$0x0] =	vst.idx.add.s32.msk $0xffff, v1  }
0x40: {  	v9 =	vld.idx.msk [tilespmem:v6+s0+$0x0 ss:$0x1], $0xffff;
	_ =	sdelay $0x5  }
0x41: {  	vm0 =	vgt.f32 v9, $5.000000000e-01  }
.Ltmp1:
0x42: {  	s28 =	sadd.s32 $0x40, s28;
	v9 =	vsel vm0, v8, v7;
	(pc) =	sbr.rel @p2 .LBB2_6-.Ltmp1, $2  }
0x43: {  	v9 =	vadd.s32 s28, v9;
	_ =	sdelay $0x2  }
0x44: {  	s29 =	sadd.s32 $0x80, s29;
	s31 =	sand.u32 $0x4000, s30;
	s30 =	sadd.s32 $0x800, s30  }
0x45: {  	_ =	sdelay $0x2  }
0x46: {  	s0 =	sand.u32 $0x380, s29;
	s26 =	sadd.s32 s31, s26  }
0x47: {  	[tilespmem:v9+s12+$0x0] =	vst.idx.add.s32.msk $0xffff, v1;
	s0 =	sadd.s32 s0, s26  }
0x48: {  	v6 =	vld.idx.msk [tilespmem:v6+s0+$0x0 ss:$0x1], $0xffff;
	_ =	sdelay $0x4  }
0x49: {  	vm0 =	vgt.f32 v6, $5.000000000e-01  }
0x4a: {  	s31 =	sadd.s32 $0x40, s28;
	s25 =	sadd.s32 $0x1, s25;
	v6 =	vsel vm0, v8, v7  }
0x4b: {  	p2 =	seq.s32 s25, $0x7E;
	v6 =	vadd.s32 s31, v6  }
.Ltmp2:
0x4c: {  	_ = 	snop;
	(pc) =	sbr.rel @!p2 .LBB2_5-.Ltmp2, $2  }
0x4d: {  	_ =	sdelay $0x2  }
0x4e: {  	[tilespmem:v6+s12+$0x0] =	vst.idx.add.s32.msk $0xffff, v1  }
0x4f: {  	s0 =	simm.s32 $0x0  }
0x50: {  	v6 =	vld [tilespmem:s0+$0x1020]  }
0x51: {  	v7 =	vld [tilespmem:s0+$0x1000]  }
0x52: {  	v8 =	vld [tilespmem:s0+$0x1030]  }
0x53: {  	v9 =	vld [tilespmem:s0+$0x1010];
	_ =	sdelay $0x3  }
0x54: {  	v6 =	vshll.u32 v6, $0x6;
	v10 =	vshll.u32 v8, $0x6  }
0x55: {  	v7 =	vshll.u32 v7, $0x6;
	v8 =	vshll.u32 v9, $0x6;
	v6 =	vor.u32 v4, v6  }
0x56: {  	v7 =	vor.u32 v2, v7;
	v8 =	vor.u32 v3, v8;
	v9 =	vor.u32 v5, v10  }
0x57: {  	vm0 =	vgt.s32 v7, v8;
	vm1 =	vgt.s32 v6, v9  }
0x58: {  	v10 =	vsel vm0, v7, v8;
	v11 =	vsel vm1, v6, v9  }
0x59: {  	vm0 =	vgt.s32 v10, v11  }
0x5a: {  	v10 =	vsel vm0, v10, v11  }
0x5b: {  	v10 =	vxor.u32 $0x80000000, v10  }
0x5c: {  	(xrf0) =	vmax.scan.msk.u32 $0xffff, v10;
	_ =	sdelay $0x3  }
0x5d: {  	s24 =	sand.u32 $0x1, s18  }
0x5e: {  	s25 =	sshll.u32 s24, $0xB  }
0x5f: {  	s23 =	sor.u32 $0x11400, s25;
	s25 =	sor.u32 $0x11420, s25;
	v10, _, _ =	vpop (xrf0)  }
0x60: {  	s28 =	simm.s32 $0x100;
	s26 =	smov.u32 s25;
	(v2sf) =	vpush v10, $0xF  }
.LBB2_9:
0x61: {  	_ =	sdelay $0xb  }
0x62: {  	p2 =	sne.s32 s28, $0xF00  }
0x63: {  	s25 =	sadd.s32 $0x80, s25;
	s0 =	smov.u32 s28;
	s28 =	sadd.s32 $0x100, s28  }
0x64: {  	s29 =	spop (v2sf)  }
0x65: {  	s29 =	sxor.u32 $0x80000000, s29  }
0x66: {  	vm0 =	veq.s32 v7, s29;
	vm1 =	veq.s32 v8, s29;
	vm2 =	veq.s32 v9, s29  }
0x67: {  	v7 =	vsel vm0, $0x1, v0;
	vm0 =	veq.s32 v6, s29;
	v6 =	vsel vm2, $0x1, v0  }
0x68: {  	v8 =	vsel vm1, $0x1, v0;
	v9 =	vsel vm0, $0x1, v0;
	[tilespmem:s26+$0x10] =	vst v6  }
0x69: {  	s0 =	sshra.s32 s0, $0x2;
	[tilespmem:s26+$0xFFFFFFF0] =	vst v8  }
0x6a: {  	[tilespmem:s26+$0x0] =	vst v9  }
0x6b: {  	[tilespmem:s26+$0xFFFFFFE0] =	vst v7;
	s26 =	smov.u32 s25  }
0x6c: {  	v6 =	vld [tilespmem:s0+$0x1020]  }
0x6d: {  	v7 =	vld [tilespmem:s0+$0x1000]  }
0x6e: {  	v8 =	vld [tilespmem:s0+$0x1030]  }
0x6f: {  	v9 =	vld [tilespmem:s0+$0x1010];
	_ =	sdelay $0x1  }
0x70: {  	v6 =	vshll.u32 v6, $0x6;
	_ =	sdelay $0x1  }
0x71: {  	v10 =	vshll.u32 v8, $0x6  }
0x72: {  	v7 =	vshll.u32 v7, $0x6;
	v6 =	vor.u32 v4, v6;
	v8 =	vshll.u32 v9, $0x6  }
0x73: {  	v7 =	vor.u32 v2, v7;
	v9 =	vor.u32 v5, v10;
	v8 =	vor.u32 v3, v8  }
0x74: {  	vm1 =	vgt.s32 v6, v9;
	vm0 =	vgt.s32 v7, v8  }
0x75: {  	v11 =	vsel vm1, v6, v9;
	v10 =	vsel vm0, v7, v8  }
0x76: {  	vm0 =	vgt.s32 v10, v11  }
0x77: {  	v10 =	vsel vm0, v10, v11  }
0x78: {  	v10 =	vxor.u32 $0x80000000, v10  }
0x79: {  	(xrf0) =	vmax.scan.msk.u32 $0xffff, v10;
	_ =	sdelay $0x2  }
.Ltmp3:
0x7a: {  	(pc) =	sbr.rel @p2 .LBB2_9-.Ltmp3, $3  }
0x7b: {  	_ =	sdelay $0x1  }
0x7c: {  	v10, _, _ =	vpop (xrf0)  }
0x7d: {  	(v2sf) =	vpush v10, $0xF  }
0x7e: {  	_ =	sdelay $0xd  }
0x7f: {  	s0 =	spop (v2sf)  }
0x80: {  	s0 =	sxor.u32 $0x80000000, s0  }
0x81: {  	vm0 =	veq.s32 v9, s0  }
0x82: {  	vm1 =	veq.s32 v8, s0;
	v63 =	vsel vm0, $0x1, v0  }
0x83: {  	p2 =	seq.s32 s21, $0x1F;
	vm14 =	veq.s32 v6, s0;
	v6 =	vsel vm1, $0x1, v0;
	[tilespmem:s26+$0x10] =	vst v63  }
0x84: {  	p1 =	por p2, p1;
	vm15 =	veq.s32 v7, s0;
	v7 =	vsel vm14, $0x1, v0;
	[tilespmem:s26+$0xFFFFFFF0] =	vst v6  }
0x85: {  	s22 =	sshll.u32 @p1 s22, $0x8;
	s24 =	sor.u32 @p1 $0x4, s24;
	v6 =	vsel vm15, $0x1, v0;
	[tilespmem:s26+$0x0] =	vst v7  }
0x86: {  	s25 =	simm.s32 @p1 $0x0;
	s22 =	sand.u32 @p1 $0x1FFFFF00, s22;
	s0 =	simm.s32 $0x1;
	[tilespmem:s26+$0xFFFFFFE0] =	vst v6  }
0x87: {  	s22 =	sadd.s32 @p1 s6, s22;
	s0 =	simm.s32 @!p0 $0x0;
	_ =	strace $0x9000004B  }
0x88: {  	s20 =	sadd.s32 s0, s20;
	s0 =	simm.s32 $0x1;
	_ =	strace @p1 $0x8000004C  }
0x89: {  	[hbm4b:s22+s25] =	stream.linear.scatter @p1 [tilespmem:s23], [sflag:s24], $0x800, $0x200038;
	[tilespmem:$0x12400] =	vst v63  }
0x8a: {  	p0 =	seq.s32 s21, $0x0;
	s0 =	simm.s32 @!p1 $0x0;
	s23 =	simm.s32 $0x1  }
0x8b: {  	_ =	strace @p1 $0x9000004C;
	p1 =	sne.s32 s21, $0x0;
	s21 =	sadd.s32 $0x1, s21  }
0x8c: {  	s22 =	sand.u32 @!p0 $0x1, s17;
	s23 =	simm.s32 @!p1 $0x0;
	p1 =	sne.s32 s21, $0x20  }
.Ltmp4:
0x8d: {  	s22 =	sor.u32 @!p0 $0x4, s22;
	_ =	strace @!p0 $0x8000004D;
	(pc) =	sbr.rel @p1 .LBB2_2-.Ltmp4, $4  }
0x8e: {  	_ =	swait.ge @!p0 [sflag:s22], $0x800  }
0x8f: {  	[sflag:s22] =	ssyncset.done @!p0 $0x0  }
0x90: {  	s18 =	sadd.s32 s0, s18;
	[sflag:s22] =	ssyncadd.s32 @!p0 $0xFFFFF800  }
0x91: {  	s19 =	sadd.s32 s0, s19;
	s17 =	sadd.s32 s23, s17;
	_ =	strace @!p0 $0x9000004D  }
0x92: {  	s15 =	sadd.s32 $0x1, s15  }
0x93: {  	p0 =	sne.s32 s15, s9  }
.Ltmp5:
0x94: {  	_ =	strace $0x8000004E;
	(pc) =	sbr.rel @p0 .LBB2_1-.Ltmp5, $4  }
0x95: {  	_ =	swait.ge [sflag:s14], $0x800  }
0x96: {  	[sflag:s14] =	ssyncset.done $0x0  }
0x97: {  	[sflag:s14] =	ssyncadd.s32 $0xFFFFF800  }
0x98: {  	_ =	strace $0x9000004E  }
0x99: {  	_ =	sfence.sel $0x180000  }
0x9a: {  	[bflag:$0x0] =	sbarrier.arrive $0xFFFF  }
0x9b: {  	_ =	strace $0x90000047  }
0x9c: {  	[bflag:$0x2] =	sbarrier.arrive $0xFFFF  }
0x9d: {  	p0 =	sne.s32 s3, $0x0;
	s0 =	rddreg [dreg:$0x2]  }
0x9e: {  	s0 =	sadd.s32 @!p0 $0x100000, s0  }
0x9f: {  	[sflag:s0] =	ssyncadd.tile.s32 @!p0 $0x1;
	_ =	shalt  }
.Lfunc_end2:
_tile_overlayer_lowered:
.L_overlay_start_2:
0xa0: {  	(tag) =	ssettag $0x2  }
0xa1: {  	s0 =	rddreg [dreg:$0x0];
	s2 =	stileid.u32  }
0xa2: {  	s1 =	rddreg [dreg:$0x1];
	p0 =	sne.s32 s2, $0x0  }
0xa3: {  	s3 =	rddreg [dreg:$0x2];
	[bflag:$0x3] =	sbarrier.arrive $0xFFFF;
	s2 =	simm.s32 @!p0 $0x1C02  }
0xa4: {  	[timem:s3], [sflag:s2] =	dma.local @!p0 [hbm:s0], s1  }
0xa5: {  	s0 =	simm.s32 @!p0 $0x2  }
0xa6: {  	_ =	swait.ge @!p0 [sflag:s0], s1  }
0xa7: {  	s1 =	ssub.s32 @!p0 $0x0, s1;
	[sflag:s0] =	ssyncset.done @!p0 $0x0  }
0xa8: {  	[sflag:s0] =	ssyncadd.s32 @!p0 s1  }
0xa9: {  	[bflag:$0x3] =	sbarrier.arrive $0xFFFF  }
0xaa: {  	_ =	shalt  }

</sc_bundles>
